<compile_context>
chip_gen: v7x
topology: tpu7x:2x2x1
jax: 0.10.2.dev20260603
libtpu: 0.0.44.dev20260713+nightly
codegen_flags: <defaults>
</compile_context>

<pallas_src>
import functools

import jax
import jax.numpy as jnp
from jax import lax
from jax.experimental import pallas as pl
from jax.experimental.pallas import tpu as pltpu
from jax.experimental.pallas import tpu_sc as plsc

N = 10000
D = 128
H = 128
E = 320000

NC = 2
NS = 16
NW = NC * NS
PER_TILE = E // NW
CHUNK = 128
EP = 10240
NCHUNK = EP // CHUNK
NPASS = 2
CPP = NCHUNK // NPASS
ACHUNK = 64
ANCHUNK = EP // ACHUNK
ANPASS = 8
ACPP = ANCHUNK // ANPASS
NP = 10240
RPS = NP // NS

_MESH = plsc.VectorSubcoreMesh(core_axis_name="c", subcore_axis_name="s")


def _deg_body(edges_hbm, e01_hbm, zeros128_hbm, deg_hbm,
              src_v, dst_v, e0_v, e1_v, deg_sh):
    c = lax.axis_index("c")
    s = lax.axis_index("s")
    wid = s * NC + c
    pltpu.sync_copy(e01_hbm.at[0], e0_v)
    pltpu.sync_copy(e01_hbm.at[1], e1_v)
    r0 = s * RPS
    pltpu.sync_copy(zeros128_hbm.at[pl.ds(r0, RPS)], deg_sh.at[pl.ds(r0, RPS)])
    plsc.subcore_barrier()

    def pass_body(p, carry):
        pltpu.sync_copy(edges_hbm.at[0, wid, p], src_v)
        pltpu.sync_copy(edges_hbm.at[1, wid, p], dst_v)

        def body(j, carry2):
            pltpu.sync_copy(e0_v, deg_sh.at[src_v.at[j]], add=True)
            pltpu.sync_copy(e1_v, deg_sh.at[dst_v.at[j]], add=True)
            return carry2

        lax.fori_loop(0, CPP, body, 0)
        return carry

    lax.fori_loop(0, NPASS, pass_body, 0)
    plsc.subcore_barrier()
    pltpu.sync_copy(deg_sh.at[pl.ds(r0, RPS)], deg_hbm.at[c, pl.ds(r0, RPS)])


_deg_call = functools.partial(
    pl.kernel,
    out_type=jax.ShapeDtypeStruct((NC, NP, H), jnp.float32),
    mesh=_MESH,
    scratch_types=[
        pltpu.VMEM((CPP, CHUNK), jnp.int32),
        pltpu.VMEM((CPP, CHUNK), jnp.int32),
        pltpu.VMEM((CHUNK, H), jnp.float32),
        pltpu.VMEM((CHUNK, H), jnp.float32),
        pltpu.VMEM_SHARED((NP, H), jnp.float32),
    ],
)(_deg_body)


def _agg_body(hs_hbm, edges_hbm, zeros128_hbm, out_hbm,
              src_v, dst_v, rows0, rows1, rows2, rows3, rows4,
              sem0, sem1, sem2, sem3, sem4, agg_sh):
    c = lax.axis_index("c")
    s = lax.axis_index("s")
    wid = s * NC + c
    r0 = s * RPS
    pltpu.sync_copy(zeros128_hbm.at[pl.ds(r0, RPS)], agg_sh.at[pl.ds(r0, RPS)])
    plsc.subcore_barrier()

    bufs = [(rows0, sem0), (rows1, sem1), (rows2, sem2), (rows3, sem3),
            (rows4, sem4)]
    NBUF = len(bufs)

    def gather(j, b):
        pltpu.async_copy(hs_hbm.at[src_v.at[j]], bufs[b][0], bufs[b][1])

    def drain_scatter(j, b):
        pltpu.make_async_copy(hs_hbm.at[src_v.at[0]], bufs[b][0],
                              bufs[b][1]).wait()
        pltpu.sync_copy(bufs[b][0], agg_sh.at[dst_v.at[j]], add=True)

    def pass_body(p, carry):
        pltpu.sync_copy(edges_hbm.at[0, wid, p], src_v)
        pltpu.sync_copy(edges_hbm.at[1, wid, p], dst_v)
        for b in range(NBUF - 1):
            gather(b, b)

        def body(k, carry2):
            j = NBUF * k
            gather(j + NBUF - 1, NBUF - 1)
            for b in range(NBUF):
                drain_scatter(j + b, b)
                if b < NBUF - 1:
                    @pl.when(j + NBUF + b < ACPP)
                    def _():
                        gather(j + NBUF + b, b)
            return carry2

        lax.fori_loop(0, ACPP // NBUF, body, 0)
        return carry

    lax.fori_loop(0, ANPASS, pass_body, 0)
    plsc.subcore_barrier()
    pltpu.sync_copy(agg_sh.at[pl.ds(r0, RPS)], out_hbm.at[c, pl.ds(r0, RPS)])


_agg_call = functools.partial(
    pl.kernel,
    out_type=jax.ShapeDtypeStruct((NC, NP, H), jnp.float32),
    mesh=_MESH,
    scratch_types=[
        pltpu.VMEM((ACPP, ACHUNK), jnp.int32),
        pltpu.VMEM((ACPP, ACHUNK), jnp.int32),
        pltpu.VMEM((ACHUNK, H), jnp.float32),
        pltpu.VMEM((ACHUNK, H), jnp.float32),
        pltpu.VMEM((ACHUNK, H), jnp.float32),
        pltpu.VMEM((ACHUNK, H), jnp.float32),
        pltpu.VMEM((ACHUNK, H), jnp.float32),
        pltpu.SemaphoreType.DMA,
        pltpu.SemaphoreType.DMA,
        pltpu.SemaphoreType.DMA,
        pltpu.SemaphoreType.DMA,
        pltpu.SemaphoreType.DMA,
        pltpu.VMEM_SHARED((NP, H), jnp.float32),
    ],
)(_agg_body)


def _mm_body(x_ref, w_ref, d0_ref, d1_ref, out_ref):
    deg = jnp.maximum(d0_ref[...] + d1_ref[...], 1.0)
    h = jnp.dot(x_ref[...], w_ref[...], preferred_element_type=jnp.float32)
    out_ref[...] = h * lax.rsqrt(deg)


def _mm_call(x, W1, d0, d1):
    return pl.pallas_call(
        _mm_body,
        out_shape=jax.ShapeDtypeStruct((NP, H), jnp.float32),
    )(x, W1, d0, d1)


def _head_body(a0_ref, a1_ref, d0_ref, d1_ref, b1_ref, wc1_ref, bc1_ref,
               wc3_ref, bc3_ref, out_ref):
    deg = jnp.maximum(d0_ref[...] + d1_ref[...], 1.0)
    conv = (a0_ref[...] + a1_ref[...]) * lax.rsqrt(deg) + b1_ref[...]
    h1 = jnp.maximum(conv, 0.0)
    hg = jnp.sum(h1, axis=0, keepdims=True) * (1.0 / N)
    t = jnp.dot(hg, wc1_ref[...], preferred_element_type=jnp.float32) + bc1_ref[...]
    t = jnp.maximum(t, 0.0)
    out_ref[...] = jnp.dot(t, wc3_ref[...], preferred_element_type=jnp.float32) + bc3_ref[...]


def _head_call(a0, a1, d0, d1, b1, Wc1, bc1, Wc3, bc3):
    return pl.pallas_call(
        _head_body,
        out_shape=jax.ShapeDtypeStruct((1, 1), jnp.float32),
    )(a0, a1, d0, d1, b1, Wc1, bc1, Wc3, bc3)


def kernel(x, edge_index, W1, b1, Wc1, bc1, Wc3, bc3):
    e = edge_index.astype(jnp.int32).reshape(2, NW, PER_TILE)
    pad = jnp.full((2, NW, EP - PER_TILE), N, jnp.int32)
    ep = jnp.concatenate([e, pad], axis=2)
    e_deg = ep.reshape(2, NW, NPASS, CPP, CHUNK)
    e_agg = ep.reshape(2, NW, ANPASS, ACPP, ACHUNK)
    e01 = jnp.zeros((2, CHUNK, H), jnp.float32)
    e01 = e01.at[0, :, 0].set(1.0).at[1, :, 1].set(1.0)
    zeros128 = jnp.zeros((NP, H), jnp.float32)
    x_p = jnp.zeros((NP, D), jnp.float32).at[:N].set(x)

    deg = _deg_call(e_deg, e01, zeros128)
    hs = _mm_call(x_p, W1, deg[0, :, 0:1], deg[1, :, 0:1])
    aggp = _agg_call(hs, e_agg, zeros128)
    out = _head_call(aggp[0, :N], aggp[1, :N], deg[0, :N, 1:2], deg[1, :N, 1:2],
                     b1.reshape(1, H), Wc1, bc1.reshape(1, H), Wc3,
                     bc3.reshape(1, 1))
    return out.reshape(1)

# --- scband reference (transcript-rebuilt; emitter-appended) ---
"""Pipeline reference for scband-gcnreg-1gc-29703993819339 (READ-ONLY COPY).

The authoritative reference and input builder live on the scoring server;
editing this copy changes nothing except your own understanding.
"""

import jax, jax.numpy as jnp
import numpy as np

N = 10000
E = 320000
D = 128
H = 128
C = 1


def setup_inputs(seed: int = 0) -> dict:
    key = jax.random.key(seed)
    k1, k2, k3, k4, k5, k6, k7, k8 = jax.random.split(key, 8)
    x = jax.random.normal(k1, (N, D), dtype=jnp.float32)
    edge_index = jax.random.randint(k2, (2, E), 0, N)
    W1 = jax.random.normal(k3, (D, H), dtype=jnp.float32) * (1.0 / np.sqrt(D))
    b1 = jnp.zeros((H,), dtype=jnp.float32)
    Wc1 = jax.random.normal(k4, (H, H), dtype=jnp.float32) * (1.0 / np.sqrt(H))
    bc1 = jnp.zeros((H,), dtype=jnp.float32)
    Wc3 = jax.random.normal(k5, (H, C), dtype=jnp.float32) * (1.0 / np.sqrt(H))
    bc3 = jnp.zeros((C,), dtype=jnp.float32)
    return {"x": x, "edge_index": edge_index, "W1": W1, "b1": b1,
            "Wc1": Wc1, "bc1": bc1, "Wc3": Wc3, "bc3": bc3}


def reference(x, edge_index, W1, b1, Wc1, bc1, Wc3, bc3):
    src = edge_index[0]
    dst = edge_index[1]
    # DGL GraphConv with norm='both': D_dst^{-1/2} A D_src^{-1/2} X W + b
    deg_out = jnp.clip(jnp.bincount(src, length=N), 1)
    deg_in = jnp.clip(jnp.bincount(dst, length=N), 1)
    norm_src = deg_out.astype(jnp.float32) ** -0.5
    norm_dst = deg_in.astype(jnp.float32) ** -0.5
    h = x @ W1
    msg = h[src] * norm_src[src][:, None]
    agg = jax.ops.segment_sum(msg, dst, num_segments=N)
    conv = agg * norm_dst[:, None] + b1
    h1 = jax.nn.relu(conv)
    # dgl.mean_nodes over a single graph -> mean over all nodes
    hg = jnp.mean(h1, axis=0)
    out = jax.nn.relu(hg @ Wc1 + bc1)
    out = out @ Wc3 + bc3
    return out

if __name__ == "__main__":
    import jax
    _d = setup_inputs()
    print(jax.jit(kernel)(*tuple(_d.values())))

</pallas_src>

<mosaic_0001>
#map = affine_map<(d0, d1) -> (0, 0)>
#map1 = affine_map<(d0, d1) -> (0, 0, 0, 0, 0)>
#map2 = affine_map<(d0, d1) -> (0, 0, 0)>
module attributes {stable_mosaic.version = 14 : i64} {
  func.func @_agg_body(%arg0: i32, %arg1: i32, %arg2: memref<10240x128xf32, #tpu.memory_space<hbm>>, %arg3: memref<2x32x8x20x64xi32, #tpu.memory_space<hbm>>, %arg4: memref<10240x128xf32, #tpu.memory_space<hbm>>, %arg5: memref<2x10240x128xf32, #tpu.memory_space<hbm>>, %arg6: memref<20x64xi32, #tpu.memory_space<vmem>>, %arg7: memref<20x64xi32, #tpu.memory_space<vmem>>, %arg8: memref<64x128xf32, #tpu.memory_space<vmem>>, %arg9: memref<64x128xf32, #tpu.memory_space<vmem>>, %arg10: memref<64x128xf32, #tpu.memory_space<vmem>>, %arg11: memref<64x128xf32, #tpu.memory_space<vmem>>, %arg12: memref<64x128xf32, #tpu.memory_space<vmem>>, %arg13: memref<!tpu.dma_semaphore, #tpu.memory_space<semaphore_mem>>, %arg14: memref<!tpu.dma_semaphore, #tpu.memory_space<semaphore_mem>>, %arg15: memref<!tpu.dma_semaphore, #tpu.memory_space<semaphore_mem>>, %arg16: memref<!tpu.dma_semaphore, #tpu.memory_space<semaphore_mem>>, %arg17: memref<!tpu.dma_semaphore, #tpu.memory_space<semaphore_mem>>, %arg18: memref<10240x128xf32, #tpu.memory_space<vmem_shared>>) attributes {dimension_semantics = [#tpu.dimension_semantics<core_parallel>, #tpu.dimension_semantics<subcore_parallel>], iteration_bounds = array<i64: 2, 16>, scalar_prefetch = 0 : i64, scratch_operands = 13 : i64, tpu.core_type = #tpu.core_type<sc_vector_subcore>, window_params = [{transform_indices = #map}, {transform_indices = #map1}, {transform_indices = #map}, {transform_indices = #map2}]} {
    %mul3A = arith.constant 2 : i32
    %mul3A_0 = arith.muli %arg1, %mul3A : i32
    %add3A = arith.addi %mul3A_0, %arg0 : i32
    %mul3A_1 = arith.constant 640 : i32
    %mul3A_2 = arith.muli %arg1, %mul3A_1 : i32
    "tpu.region"() ({
      %run_scoped3A = tpu.sem_alloc : memref<!tpu.dma_semaphore, #tpu.memory_space<semaphore_mem>>
      %dma_start3A = arith.constant 0 : i32
      %dma_start3A_9 = tpu.memref_slice %arg18[%mul3A_2, %dma_start3A] : memref<10240x128xf32, #tpu.memory_space<vmem_shared>> -> memref<640x128xf32, #tpu.memory_space<vmem_shared>>
      %dma_start3A_10 = arith.constant 0 : i32
      %dma_start3A_11 = tpu.memref_slice %arg4[%mul3A_2, %dma_start3A_10] : memref<10240x128xf32, #tpu.memory_space<hbm>> -> memref<640x128xf32, #tpu.memory_space<hbm>>
      tpu.enqueue_dma source(%dma_start3A_11 : memref<640x128xf32, #tpu.memory_space<hbm>>) target(%dma_start3A_9 : memref<640x128xf32, #tpu.memory_space<vmem_shared>>) target_semaphore(%run_scoped3A : memref<!tpu.dma_semaphore, #tpu.memory_space<semaphore_mem>>)
      %dma_wait3A = arith.constant 0 : i32
      %dma_wait3A_12 = tpu.memref_slice %arg18[%mul3A_2, %dma_wait3A] : memref<10240x128xf32, #tpu.memory_space<vmem_shared>> -> memref<640x128xf32, #tpu.memory_space<vmem_shared>>
      %dma_wait3A_13 = arith.constant 0 : i32
      %dma_wait3A_14 = tpu.memref_slice %arg4[%mul3A_2, %dma_wait3A_13] : memref<10240x128xf32, #tpu.memory_space<hbm>> -> memref<640x128xf32, #tpu.memory_space<hbm>>
      tpu.wait_dma2 semaphore(%run_scoped3A : memref<!tpu.dma_semaphore, #tpu.memory_space<semaphore_mem>>) src(%dma_wait3A_14 : memref<640x128xf32, #tpu.memory_space<hbm>>) dst(%dma_wait3A_12 : memref<640x128xf32, #tpu.memory_space<vmem_shared>>)
      tpu.yield
    }) : () -> ()
    %barrier3A = arith.constant 0 : index
    tpu.barrier barrier_id(%barrier3A)
    %scan3A = arith.constant 0 : i32
    %scan3A_3 = arith.constant 0 : i32
    %scan3A_4 = arith.constant 8 : i32
    %scan3A_5 = arith.addi %scan3A_3, %scan3A_4 : i32
    %scan3A_6 = arith.constant 1 : i32
    scf.for %scan3A_9 = %scan3A_3 to %scan3A_5 step %scan3A_6  : i32 {
      %run_scoped3A = arith.constant 0 : i32
      "tpu.region"() ({
        %run_scoped3A_44 = tpu.sem_alloc : memref<!tpu.dma_semaphore, #tpu.memory_space<semaphore_mem>>
        %dma_start3A_45 = arith.constant 0 : i32
        %dma_start3A_46 = arith.constant 0 : i32
        %dma_start3A_47 = tpu.memref_slice %arg3[%run_scoped3A, %add3A, %scan3A_9, %dma_start3A_45, %dma_start3A_46] : memref<2x32x8x20x64xi32, #tpu.memory_space<hbm>> -> memref<1x1x1x20x64xi32, #tpu.memory_space<hbm>>
        %dma_start3A_48 = tpu.memref_squeeze %dma_start3A_47 : memref<1x1x1x20x64xi32, #tpu.memory_space<hbm>> -> memref<20x64xi32, #tpu.memory_space<hbm>>
        %dma_start3A_49 = arith.constant 0 : i32
        %dma_start3A_50 = arith.constant 0 : i32
        %dma_start3A_51 = tpu.memref_slice %arg3[%run_scoped3A, %add3A, %scan3A_9, %dma_start3A_49, %dma_start3A_50] : memref<2x32x8x20x64xi32, #tpu.memory_space<hbm>> -> memref<1x1x1x20x64xi32, #tpu.memory_space<hbm>>
        %dma_start3A_52 = tpu.memref_squeeze %dma_start3A_51 : memref<1x1x1x20x64xi32, #tpu.memory_space<hbm>> -> memref<20x64xi32, #tpu.memory_space<hbm>>
        tpu.enqueue_dma source(%dma_start3A_52 : memref<20x64xi32, #tpu.memory_space<hbm>>) target(%arg6 : memref<20x64xi32, #tpu.memory_space<vmem>>) target_semaphore(%run_scoped3A_44 : memref<!tpu.dma_semaphore, #tpu.memory_space<semaphore_mem>>)
        %dma_wait3A = arith.constant 0 : i32
        %dma_wait3A_53 = arith.constant 0 : i32
        %dma_wait3A_54 = tpu.memref_slice %arg3[%run_scoped3A, %add3A, %scan3A_9, %dma_wait3A, %dma_wait3A_53] : memref<2x32x8x20x64xi32, #tpu.memory_space<hbm>> -> memref<1x1x1x20x64xi32, #tpu.memory_space<hbm>>
        %dma_wait3A_55 = tpu.memref_squeeze %dma_wait3A_54 : memref<1x1x1x20x64xi32, #tpu.memory_space<hbm>> -> memref<20x64xi32, #tpu.memory_space<hbm>>
        %dma_wait3A_56 = arith.constant 0 : i32
        %dma_wait3A_57 = arith.constant 0 : i32
        %dma_wait3A_58 = tpu.memref_slice %arg3[%run_scoped3A, %add3A, %scan3A_9, %dma_wait3A_56, %dma_wait3A_57] : memref<2x32x8x20x64xi32, #tpu.memory_space<hbm>> -> memref<1x1x1x20x64xi32, #tpu.memory_space<hbm>>
        %dma_wait3A_59 = tpu.memref_squeeze %dma_wait3A_58 : memref<1x1x1x20x64xi32, #tpu.memory_space<hbm>> -> memref<20x64xi32, #tpu.memory_space<hbm>>
        tpu.wait_dma2 semaphore(%run_scoped3A_44 : memref<!tpu.dma_semaphore, #tpu.memory_space<semaphore_mem>>) src(%dma_wait3A_59 : memref<20x64xi32, #tpu.memory_space<hbm>>) dst(%arg6 : memref<20x64xi32, #tpu.memory_space<vmem>>)
        tpu.yield
      }) : () -> ()
      %run_scoped3A_10 = arith.constant 1 : i32
      "tpu.region"() ({
        %run_scoped3A_44 = tpu.sem_alloc : memref<!tpu.dma_semaphore, #tpu.memory_space<semaphore_mem>>
        %dma_start3A_45 = arith.constant 0 : i32
        %dma_start3A_46 = arith.constant 0 : i32
        %dma_start3A_47 = tpu.memref_slice %arg3[%run_scoped3A_10, %add3A, %scan3A_9, %dma_start3A_45, %dma_start3A_46] : memref<2x32x8x20x64xi32, #tpu.memory_space<hbm>> -> memref<1x1x1x20x64xi32, #tpu.memory_space<hbm>>
        %dma_start3A_48 = tpu.memref_squeeze %dma_start3A_47 : memref<1x1x1x20x64xi32, #tpu.memory_space<hbm>> -> memref<20x64xi32, #tpu.memory_space<hbm>>
        %dma_start3A_49 = arith.constant 0 : i32
        %dma_start3A_50 = arith.constant 0 : i32
        %dma_start3A_51 = tpu.memref_slice %arg3[%run_scoped3A_10, %add3A, %scan3A_9, %dma_start3A_49, %dma_start3A_50] : memref<2x32x8x20x64xi32, #tpu.memory_space<hbm>> -> memref<1x1x1x20x64xi32, #tpu.memory_space<hbm>>
        %dma_start3A_52 = tpu.memref_squeeze %dma_start3A_51 : memref<1x1x1x20x64xi32, #tpu.memory_space<hbm>> -> memref<20x64xi32, #tpu.memory_space<hbm>>
        tpu.enqueue_dma source(%dma_start3A_52 : memref<20x64xi32, #tpu.memory_space<hbm>>) target(%arg7 : memref<20x64xi32, #tpu.memory_space<vmem>>) target_semaphore(%run_scoped3A_44 : memref<!tpu.dma_semaphore, #tpu.memory_space<semaphore_mem>>)
        %dma_wait3A = arith.constant 0 : i32
        %dma_wait3A_53 = arith.constant 0 : i32
        %dma_wait3A_54 = tpu.memref_slice %arg3[%run_scoped3A_10, %add3A, %scan3A_9, %dma_wait3A, %dma_wait3A_53] : memref<2x32x8x20x64xi32, #tpu.memory_space<hbm>> -> memref<1x1x1x20x64xi32, #tpu.memory_space<hbm>>
        %dma_wait3A_55 = tpu.memref_squeeze %dma_wait3A_54 : memref<1x1x1x20x64xi32, #tpu.memory_space<hbm>> -> memref<20x64xi32, #tpu.memory_space<hbm>>
        %dma_wait3A_56 = arith.constant 0 : i32
        %dma_wait3A_57 = arith.constant 0 : i32
        %dma_wait3A_58 = tpu.memref_slice %arg3[%run_scoped3A_10, %add3A, %scan3A_9, %dma_wait3A_56, %dma_wait3A_57] : memref<2x32x8x20x64xi32, #tpu.memory_space<hbm>> -> memref<1x1x1x20x64xi32, #tpu.memory_space<hbm>>
        %dma_wait3A_59 = tpu.memref_squeeze %dma_wait3A_58 : memref<1x1x1x20x64xi32, #tpu.memory_space<hbm>> -> memref<20x64xi32, #tpu.memory_space<hbm>>
        tpu.wait_dma2 semaphore(%run_scoped3A_44 : memref<!tpu.dma_semaphore, #tpu.memory_space<semaphore_mem>>) src(%dma_wait3A_59 : memref<20x64xi32, #tpu.memory_space<hbm>>) dst(%arg7 : memref<20x64xi32, #tpu.memory_space<vmem>>)
        tpu.yield
      }) : () -> ()
      %dma_start3A = arith.constant 0 : i32
      %dma_start3A_11 = arith.constant 0 : i32
      %dma_start3A_12 = tpu.memref_slice %arg6[%dma_start3A, %dma_start3A_11] : memref<20x64xi32, #tpu.memory_space<vmem>> -> memref<1x64xi32, #tpu.memory_space<vmem>>
      %dma_start3A_13 = tpu.memref_squeeze %dma_start3A_12 : memref<1x64xi32, #tpu.memory_space<vmem>> -> memref<64xi32, #tpu.memory_space<vmem>>
      %dma_start3A_14 = arith.constant 0 : i32
      %dma_start3A_15 = arith.constant 0 : i32
      %dma_start3A_16 = tpu.memref_slice %arg2[%dma_start3A_14, %dma_start3A_15] : memref<10240x128xf32, #tpu.memory_space<hbm>> -> memref<10240x128xf32, #tpu.memory_space<hbm>>
      tpu.enqueue_indirect_dma source(%dma_start3A_16 : memref<10240x128xf32, #tpu.memory_space<hbm>>) target(%arg8 : memref<64x128xf32, #tpu.memory_space<vmem>>) offsets(%dma_start3A_13 : memref<64xi32, #tpu.memory_space<vmem>>) semaphore(%arg13 : memref<!tpu.dma_semaphore, #tpu.memory_space<semaphore_mem>>)
      %dma_start3A_17 = arith.constant 1 : i32
      %dma_start3A_18 = arith.constant 0 : i32
      %dma_start3A_19 = tpu.memref_slice %arg6[%dma_start3A_17, %dma_start3A_18] : memref<20x64xi32, #tpu.memory_space<vmem>> -> memref<1x64xi32, #tpu.memory_space<vmem>>
      %dma_start3A_20 = tpu.memref_squeeze %dma_start3A_19 : memref<1x64xi32, #tpu.memory_space<vmem>> -> memref<64xi32, #tpu.memory_space<vmem>>
      %dma_start3A_21 = arith.constant 0 : i32
      %dma_start3A_22 = arith.constant 0 : i32
      %dma_start3A_23 = tpu.memref_slice %arg2[%dma_start3A_21, %dma_start3A_22] : memref<10240x128xf32, #tpu.memory_space<hbm>> -> memref<10240x128xf32, #tpu.memory_space<hbm>>
      tpu.enqueue_indirect_dma source(%dma_start3A_23 : memref<10240x128xf32, #tpu.memory_space<hbm>>) target(%arg9 : memref<64x128xf32, #tpu.memory_space<vmem>>) offsets(%dma_start3A_20 : memref<64xi32, #tpu.memory_space<vmem>>) semaphore(%arg14 : memref<!tpu.dma_semaphore, #tpu.memory_space<semaphore_mem>>)
      %dma_start3A_24 = arith.constant 2 : i32
      %dma_start3A_25 = arith.constant 0 : i32
      %dma_start3A_26 = tpu.memref_slice %arg6[%dma_start3A_24, %dma_start3A_25] : memref<20x64xi32, #tpu.memory_space<vmem>> -> memref<1x64xi32, #tpu.memory_space<vmem>>
      %dma_start3A_27 = tpu.memref_squeeze %dma_start3A_26 : memref<1x64xi32, #tpu.memory_space<vmem>> -> memref<64xi32, #tpu.memory_space<vmem>>
      %dma_start3A_28 = arith.constant 0 : i32
      %dma_start3A_29 = arith.constant 0 : i32
      %dma_start3A_30 = tpu.memref_slice %arg2[%dma_start3A_28, %dma_start3A_29] : memref<10240x128xf32, #tpu.memory_space<hbm>> -> memref<10240x128xf32, #tpu.memory_space<hbm>>
      tpu.enqueue_indirect_dma source(%dma_start3A_30 : memref<10240x128xf32, #tpu.memory_space<hbm>>) target(%arg10 : memref<64x128xf32, #tpu.memory_space<vmem>>) offsets(%dma_start3A_27 : memref<64xi32, #tpu.memory_space<vmem>>) semaphore(%arg15 : memref<!tpu.dma_semaphore, #tpu.memory_space<semaphore_mem>>)
      %dma_start3A_31 = arith.constant 3 : i32
      %dma_start3A_32 = arith.constant 0 : i32
      %dma_start3A_33 = tpu.memref_slice %arg6[%dma_start3A_31, %dma_start3A_32] : memref<20x64xi32, #tpu.memory_space<vmem>> -> memref<1x64xi32, #tpu.memory_space<vmem>>
      %dma_start3A_34 = tpu.memref_squeeze %dma_start3A_33 : memref<1x64xi32, #tpu.memory_space<vmem>> -> memref<64xi32, #tpu.memory_space<vmem>>
      %dma_start3A_35 = arith.constant 0 : i32
      %dma_start3A_36 = arith.constant 0 : i32
      %dma_start3A_37 = tpu.memref_slice %arg2[%dma_start3A_35, %dma_start3A_36] : memref<10240x128xf32, #tpu.memory_space<hbm>> -> memref<10240x128xf32, #tpu.memory_space<hbm>>
      tpu.enqueue_indirect_dma source(%dma_start3A_37 : memref<10240x128xf32, #tpu.memory_space<hbm>>) target(%arg11 : memref<64x128xf32, #tpu.memory_space<vmem>>) offsets(%dma_start3A_34 : memref<64xi32, #tpu.memory_space<vmem>>) semaphore(%arg16 : memref<!tpu.dma_semaphore, #tpu.memory_space<semaphore_mem>>)
      %scan3A_38 = arith.constant 0 : i32
      %scan3A_39 = arith.constant 0 : i32
      %scan3A_40 = arith.constant 4 : i32
      %scan3A_41 = arith.addi %scan3A_39, %scan3A_40 : i32
      %scan3A_42 = arith.constant 1 : i32
      scf.for %scan3A_44 = %scan3A_39 to %scan3A_41 step %scan3A_42  : i32 {
        %mul3A_45 = arith.constant 5 : i32
        %mul3A_46 = arith.muli %mul3A_45, %scan3A_44 : i32
        %add3A_47 = arith.constant 5 : i32
        %add3A_48 = arith.addi %mul3A_46, %add3A_47 : i32
        %sub3A = arith.constant 1 : i32
        %sub3A_49 = arith.subi %add3A_48, %sub3A : i32
        %dma_start3A_50 = arith.constant 0 : i32
        %dma_start3A_51 = tpu.memref_slice %arg6[%sub3A_49, %dma_start3A_50] : memref<20x64xi32, #tpu.memory_space<vmem>> -> memref<1x64xi32, #tpu.memory_space<vmem>>
        %dma_start3A_52 = tpu.memref_squeeze %dma_start3A_51 : memref<1x64xi32, #tpu.memory_space<vmem>> -> memref<64xi32, #tpu.memory_space<vmem>>
        %dma_start3A_53 = arith.constant 0 : i32
        %dma_start3A_54 = arith.constant 0 : i32
        %dma_start3A_55 = tpu.memref_slice %arg2[%dma_start3A_53, %dma_start3A_54] : memref<10240x128xf32, #tpu.memory_space<hbm>> -> memref<10240x128xf32, #tpu.memory_space<hbm>>
        tpu.enqueue_indirect_dma source(%dma_start3A_55 : memref<10240x128xf32, #tpu.memory_space<hbm>>) target(%arg12 : memref<64x128xf32, #tpu.memory_space<vmem>>) offsets(%dma_start3A_52 : memref<64xi32, #tpu.memory_space<vmem>>) semaphore(%arg17 : memref<!tpu.dma_semaphore, #tpu.memory_space<semaphore_mem>>)
        %add3A_56 = arith.constant 0 : i32
        %add3A_57 = arith.addi %mul3A_46, %add3A_56 : i32
        %dma_wait3A = arith.constant 0 : i32
        %dma_wait3A_58 = arith.constant 0 : i32
        %dma_wait3A_59 = tpu.memref_slice %arg6[%dma_wait3A, %dma_wait3A_58] : memref<20x64xi32, #tpu.memory_space<vmem>> -> memref<1x64xi32, #tpu.memory_space<vmem>>
        %dma_wait3A_60 = tpu.memref_squeeze %dma_wait3A_59 : memref<1x64xi32, #tpu.memory_space<vmem>> -> memref<64xi32, #tpu.memory_space<vmem>>
        %dma_wait3A_61 = arith.constant 0 : i32
        %dma_wait3A_62 = arith.constant 0 : i32
        %dma_wait3A_63 = tpu.memref_slice %arg2[%dma_wait3A_61, %dma_wait3A_62] : memref<10240x128xf32, #tpu.memory_space<hbm>> -> memref<10240x128xf32, #tpu.memory_space<hbm>>
        tpu.wait_indirect_dma semaphore(%arg13 : memref<!tpu.dma_semaphore, #tpu.memory_space<semaphore_mem>>) src(%dma_wait3A_63 : memref<10240x128xf32, #tpu.memory_space<hbm>>) dst(%arg8 : memref<64x128xf32, #tpu.memory_space<vmem>>)
        "tpu.region"() ({
          %run_scoped3A_133 = tpu.sem_alloc : memref<!tpu.dma_semaphore, #tpu.memory_space<semaphore_mem>>
          %dma_start3A_134 = arith.constant 0 : i32
          %dma_start3A_135 = tpu.memref_slice %arg7[%add3A_57, %dma_start3A_134] : memref<20x64xi32, #tpu.memory_space<vmem>> -> memref<1x64xi32, #tpu.memory_space<vmem>>
          %dma_start3A_136 = tpu.memref_squeeze %dma_start3A_135 : memref<1x64xi32, #tpu.memory_space<vmem>> -> memref<64xi32, #tpu.memory_space<vmem>>
          %dma_start3A_137 = arith.constant 0 : i32
          %dma_start3A_138 = arith.constant 0 : i32
          %dma_start3A_139 = tpu.memref_slice %arg18[%dma_start3A_137, %dma_start3A_138] : memref<10240x128xf32, #tpu.memory_space<vmem_shared>> -> memref<10240x128xf32, #tpu.memory_space<vmem_shared>>
          tpu.enqueue_indirect_dma source(%arg8 : memref<64x128xf32, #tpu.memory_space<vmem>>) target(%dma_start3A_139 : memref<10240x128xf32, #tpu.memory_space<vmem_shared>>) offsets(%dma_start3A_136 : memref<64xi32, #tpu.memory_space<vmem>>) semaphore(%run_scoped3A_133 : memref<!tpu.dma_semaphore, #tpu.memory_space<semaphore_mem>>) {add = true}
          %dma_wait3A_140 = arith.constant 0 : i32
          %dma_wait3A_141 = tpu.memref_slice %arg7[%add3A_57, %dma_wait3A_140] : memref<20x64xi32, #tpu.memory_space<vmem>> -> memref<1x64xi32, #tpu.memory_space<vmem>>
          %dma_wait3A_142 = tpu.memref_squeeze %dma_wait3A_141 : memref<1x64xi32, #tpu.memory_space<vmem>> -> memref<64xi32, #tpu.memory_space<vmem>>
          %dma_wait3A_143 = arith.constant 0 : i32
          %dma_wait3A_144 = arith.constant 0 : i32
          %dma_wait3A_145 = tpu.memref_slice %arg18[%dma_wait3A_143, %dma_wait3A_144] : memref<10240x128xf32, #tpu.memory_space<vmem_shared>> -> memref<10240x128xf32, #tpu.memory_space<vmem_shared>>
          tpu.wait_indirect_dma semaphore(%run_scoped3A_133 : memref<!tpu.dma_semaphore, #tpu.memory_space<semaphore_mem>>) src(%arg8 : memref<64x128xf32, #tpu.memory_space<vmem>>) dst(%dma_wait3A_145 : memref<10240x128xf32, #tpu.memory_space<vmem_shared>>)
          tpu.yield
        }) : () -> ()
        %add3A_64 = arith.constant 5 : i32
        %add3A_65 = arith.addi %mul3A_46, %add3A_64 : i32
        %add3A_66 = arith.constant 0 : i32
        %add3A_67 = arith.addi %add3A_65, %add3A_66 : i32
        %lt3A = arith.constant 20 : i32
        %lt3A_68 = arith.cmpi slt, %add3A_67, %lt3A : i32
        %convert_element_type3A = arith.extui %lt3A_68 : i1 to i32
        %cond3A = arith.constant 0 : i32
        %cond3A_69 = arith.cmpi ne, %convert_element_type3A, %cond3A : i32
        scf.if %cond3A_69 {
          %add3A_133 = arith.constant 5 : i32
          %add3A_134 = arith.addi %mul3A_46, %add3A_133 : i32
          %add3A_135 = arith.constant 0 : i32
          %add3A_136 = arith.addi %add3A_134, %add3A_135 : i32
          %dma_start3A_137 = arith.constant 0 : i32
          %dma_start3A_138 = tpu.memref_slice %arg6[%add3A_136, %dma_start3A_137] : memref<20x64xi32, #tpu.memory_space<vmem>> -> memref<1x64xi32, #tpu.memory_space<vmem>>
          %dma_start3A_139 = tpu.memref_squeeze %dma_start3A_138 : memref<1x64xi32, #tpu.memory_space<vmem>> -> memref<64xi32, #tpu.memory_space<vmem>>
          %dma_start3A_140 = arith.constant 0 : i32
          %dma_start3A_141 = arith.constant 0 : i32
          %dma_start3A_142 = tpu.memref_slice %arg2[%dma_start3A_140, %dma_start3A_141] : memref<10240x128xf32, #tpu.memory_space<hbm>> -> memref<10240x128xf32, #tpu.memory_space<hbm>>
          tpu.enqueue_indirect_dma source(%dma_start3A_142 : memref<10240x128xf32, #tpu.memory_space<hbm>>) target(%arg8 : memref<64x128xf32, #tpu.memory_space<vmem>>) offsets(%dma_start3A_139 : memref<64xi32, #tpu.memory_space<vmem>>) semaphore(%arg13 : memref<!tpu.dma_semaphore, #tpu.memory_space<semaphore_mem>>)
        } else {
        }
        %add3A_70 = arith.constant 1 : i32
        %add3A_71 = arith.addi %mul3A_46, %add3A_70 : i32
        %dma_wait3A_72 = arith.constant 0 : i32
        %dma_wait3A_73 = arith.constant 0 : i32
        %dma_wait3A_74 = tpu.memref_slice %arg6[%dma_wait3A_72, %dma_wait3A_73] : memref<20x64xi32, #tpu.memory_space<vmem>> -> memref<1x64xi32, #tpu.memory_space<vmem>>
        %dma_wait3A_75 = tpu.memref_squeeze %dma_wait3A_74 : memref<1x64xi32, #tpu.memory_space<vmem>> -> memref<64xi32, #tpu.memory_space<vmem>>
        %dma_wait3A_76 = arith.constant 0 : i32
        %dma_wait3A_77 = arith.constant 0 : i32
        %dma_wait3A_78 = tpu.memref_slice %arg2[%dma_wait3A_76, %dma_wait3A_77] : memref<10240x128xf32, #tpu.memory_space<hbm>> -> memref<10240x128xf32, #tpu.memory_space<hbm>>
        tpu.wait_indirect_dma semaphore(%arg14 : memref<!tpu.dma_semaphore, #tpu.memory_space<semaphore_mem>>) src(%dma_wait3A_78 : memref<10240x128xf32, #tpu.memory_space<hbm>>) dst(%arg9 : memref<64x128xf32, #tpu.memory_space<vmem>>)
        "tpu.region"() ({
          %run_scoped3A_133 = tpu.sem_alloc : memref<!tpu.dma_semaphore, #tpu.memory_space<semaphore_mem>>
          %dma_start3A_134 = arith.constant 0 : i32
          %dma_start3A_135 = tpu.memref_slice %arg7[%add3A_71, %dma_start3A_134] : memref<20x64xi32, #tpu.memory_space<vmem>> -> memref<1x64xi32, #tpu.memory_space<vmem>>
          %dma_start3A_136 = tpu.memref_squeeze %dma_start3A_135 : memref<1x64xi32, #tpu.memory_space<vmem>> -> memref<64xi32, #tpu.memory_space<vmem>>
          %dma_start3A_137 = arith.constant 0 : i32
          %dma_start3A_138 = arith.constant 0 : i32
          %dma_start3A_139 = tpu.memref_slice %arg18[%dma_start3A_137, %dma_start3A_138] : memref<10240x128xf32, #tpu.memory_space<vmem_shared>> -> memref<10240x128xf32, #tpu.memory_space<vmem_shared>>
          tpu.enqueue_indirect_dma source(%arg9 : memref<64x128xf32, #tpu.memory_space<vmem>>) target(%dma_start3A_139 : memref<10240x128xf32, #tpu.memory_space<vmem_shared>>) offsets(%dma_start3A_136 : memref<64xi32, #tpu.memory_space<vmem>>) semaphore(%run_scoped3A_133 : memref<!tpu.dma_semaphore, #tpu.memory_space<semaphore_mem>>) {add = true}
          %dma_wait3A_140 = arith.constant 0 : i32
          %dma_wait3A_141 = tpu.memref_slice %arg7[%add3A_71, %dma_wait3A_140] : memref<20x64xi32, #tpu.memory_space<vmem>> -> memref<1x64xi32, #tpu.memory_space<vmem>>
          %dma_wait3A_142 = tpu.memref_squeeze %dma_wait3A_141 : memref<1x64xi32, #tpu.memory_space<vmem>> -> memref<64xi32, #tpu.memory_space<vmem>>
          %dma_wait3A_143 = arith.constant 0 : i32
          %dma_wait3A_144 = arith.constant 0 : i32
          %dma_wait3A_145 = tpu.memref_slice %arg18[%dma_wait3A_143, %dma_wait3A_144] : memref<10240x128xf32, #tpu.memory_space<vmem_shared>> -> memref<10240x128xf32, #tpu.memory_space<vmem_shared>>
          tpu.wait_indirect_dma semaphore(%run_scoped3A_133 : memref<!tpu.dma_semaphore, #tpu.memory_space<semaphore_mem>>) src(%arg9 : memref<64x128xf32, #tpu.memory_space<vmem>>) dst(%dma_wait3A_145 : memref<10240x128xf32, #tpu.memory_space<vmem_shared>>)
          tpu.yield
        }) : () -> ()
        %add3A_79 = arith.constant 5 : i32
        %add3A_80 = arith.addi %mul3A_46, %add3A_79 : i32
        %add3A_81 = arith.constant 1 : i32
        %add3A_82 = arith.addi %add3A_80, %add3A_81 : i32
        %lt3A_83 = arith.constant 20 : i32
        %lt3A_84 = arith.cmpi slt, %add3A_82, %lt3A_83 : i32
        %convert_element_type3A_85 = arith.extui %lt3A_84 : i1 to i32
        %cond3A_86 = arith.constant 0 : i32
        %cond3A_87 = arith.cmpi ne, %convert_element_type3A_85, %cond3A_86 : i32
        scf.if %cond3A_87 {
          %add3A_133 = arith.constant 5 : i32
          %add3A_134 = arith.addi %mul3A_46, %add3A_133 : i32
          %add3A_135 = arith.constant 1 : i32
          %add3A_136 = arith.addi %add3A_134, %add3A_135 : i32
          %dma_start3A_137 = arith.constant 0 : i32
          %dma_start3A_138 = tpu.memref_slice %arg6[%add3A_136, %dma_start3A_137] : memref<20x64xi32, #tpu.memory_space<vmem>> -> memref<1x64xi32, #tpu.memory_space<vmem>>
          %dma_start3A_139 = tpu.memref_squeeze %dma_start3A_138 : memref<1x64xi32, #tpu.memory_space<vmem>> -> memref<64xi32, #tpu.memory_space<vmem>>
          %dma_start3A_140 = arith.constant 0 : i32
          %dma_start3A_141 = arith.constant 0 : i32
          %dma_start3A_142 = tpu.memref_slice %arg2[%dma_start3A_140, %dma_start3A_141] : memref<10240x128xf32, #tpu.memory_space<hbm>> -> memref<10240x128xf32, #tpu.memory_space<hbm>>
          tpu.enqueue_indirect_dma source(%dma_start3A_142 : memref<10240x128xf32, #tpu.memory_space<hbm>>) target(%arg9 : memref<64x128xf32, #tpu.memory_space<vmem>>) offsets(%dma_start3A_139 : memref<64xi32, #tpu.memory_space<vmem>>) semaphore(%arg14 : memref<!tpu.dma_semaphore, #tpu.memory_space<semaphore_mem>>)
        } else {
        }
        %add3A_88 = arith.constant 2 : i32
        %add3A_89 = arith.addi %mul3A_46, %add3A_88 : i32
        %dma_wait3A_90 = arith.constant 0 : i32
        %dma_wait3A_91 = arith.constant 0 : i32
        %dma_wait3A_92 = tpu.memref_slice %arg6[%dma_wait3A_90, %dma_wait3A_91] : memref<20x64xi32, #tpu.memory_space<vmem>> -> memref<1x64xi32, #tpu.memory_space<vmem>>
        %dma_wait3A_93 = tpu.memref_squeeze %dma_wait3A_92 : memref<1x64xi32, #tpu.memory_space<vmem>> -> memref<64xi32, #tpu.memory_space<vmem>>
        %dma_wait3A_94 = arith.constant 0 : i32
        %dma_wait3A_95 = arith.constant 0 : i32
        %dma_wait3A_96 = tpu.memref_slice %arg2[%dma_wait3A_94, %dma_wait3A_95] : memref<10240x128xf32, #tpu.memory_space<hbm>> -> memref<10240x128xf32, #tpu.memory_space<hbm>>
        tpu.wait_indirect_dma semaphore(%arg15 : memref<!tpu.dma_semaphore, #tpu.memory_space<semaphore_mem>>) src(%dma_wait3A_96 : memref<10240x128xf32, #tpu.memory_space<hbm>>) dst(%arg10 : memref<64x128xf32, #tpu.memory_space<vmem>>)
        "tpu.region"() ({
          %run_scoped3A_133 = tpu.sem_alloc : memref<!tpu.dma_semaphore, #tpu.memory_space<semaphore_mem>>
          %dma_start3A_134 = arith.constant 0 : i32
          %dma_start3A_135 = tpu.memref_slice %arg7[%add3A_89, %dma_start3A_134] : memref<20x64xi32, #tpu.memory_space<vmem>> -> memref<1x64xi32, #tpu.memory_space<vmem>>
          %dma_start3A_136 = tpu.memref_squeeze %dma_start3A_135 : memref<1x64xi32, #tpu.memory_space<vmem>> -> memref<64xi32, #tpu.memory_space<vmem>>
          %dma_start3A_137 = arith.constant 0 : i32
          %dma_start3A_138 = arith.constant 0 : i32
          %dma_start3A_139 = tpu.memref_slice %arg18[%dma_start3A_137, %dma_start3A_138] : memref<10240x128xf32, #tpu.memory_space<vmem_shared>> -> memref<10240x128xf32, #tpu.memory_space<vmem_shared>>
          tpu.enqueue_indirect_dma source(%arg10 : memref<64x128xf32, #tpu.memory_space<vmem>>) target(%dma_start3A_139 : memref<10240x128xf32, #tpu.memory_space<vmem_shared>>) offsets(%dma_start3A_136 : memref<64xi32, #tpu.memory_space<vmem>>) semaphore(%run_scoped3A_133 : memref<!tpu.dma_semaphore, #tpu.memory_space<semaphore_mem>>) {add = true}
          %dma_wait3A_140 = arith.constant 0 : i32
          %dma_wait3A_141 = tpu.memref_slice %arg7[%add3A_89, %dma_wait3A_140] : memref<20x64xi32, #tpu.memory_space<vmem>> -> memref<1x64xi32, #tpu.memory_space<vmem>>
          %dma_wait3A_142 = tpu.memref_squeeze %dma_wait3A_141 : memref<1x64xi32, #tpu.memory_space<vmem>> -> memref<64xi32, #tpu.memory_space<vmem>>
          %dma_wait3A_143 = arith.constant 0 : i32
          %dma_wait3A_144 = arith.constant 0 : i32
          %dma_wait3A_145 = tpu.memref_slice %arg18[%dma_wait3A_143, %dma_wait3A_144] : memref<10240x128xf32, #tpu.memory_space<vmem_shared>> -> memref<10240x128xf32, #tpu.memory_space<vmem_shared>>
          tpu.wait_indirect_dma semaphore(%run_scoped3A_133 : memref<!tpu.dma_semaphore, #tpu.memory_space<semaphore_mem>>) src(%arg10 : memref<64x128xf32, #tpu.memory_space<vmem>>) dst(%dma_wait3A_145 : memref<10240x128xf32, #tpu.memory_space<vmem_shared>>)
          tpu.yield
        }) : () -> ()
        %add3A_97 = arith.constant 5 : i32
        %add3A_98 = arith.addi %mul3A_46, %add3A_97 : i32
        %add3A_99 = arith.constant 2 : i32
        %add3A_100 = arith.addi %add3A_98, %add3A_99 : i32
        %lt3A_101 = arith.constant 20 : i32
        %lt3A_102 = arith.cmpi slt, %add3A_100, %lt3A_101 : i32
        %convert_element_type3A_103 = arith.extui %lt3A_102 : i1 to i32
        %cond3A_104 = arith.constant 0 : i32
        %cond3A_105 = arith.cmpi ne, %convert_element_type3A_103, %cond3A_104 : i32
        scf.if %cond3A_105 {
          %add3A_133 = arith.constant 5 : i32
          %add3A_134 = arith.addi %mul3A_46, %add3A_133 : i32
          %add3A_135 = arith.constant 2 : i32
          %add3A_136 = arith.addi %add3A_134, %add3A_135 : i32
          %dma_start3A_137 = arith.constant 0 : i32
          %dma_start3A_138 = tpu.memref_slice %arg6[%add3A_136, %dma_start3A_137] : memref<20x64xi32, #tpu.memory_space<vmem>> -> memref<1x64xi32, #tpu.memory_space<vmem>>
          %dma_start3A_139 = tpu.memref_squeeze %dma_start3A_138 : memref<1x64xi32, #tpu.memory_space<vmem>> -> memref<64xi32, #tpu.memory_space<vmem>>
          %dma_start3A_140 = arith.constant 0 : i32
          %dma_start3A_141 = arith.constant 0 : i32
          %dma_start3A_142 = tpu.memref_slice %arg2[%dma_start3A_140, %dma_start3A_141] : memref<10240x128xf32, #tpu.memory_space<hbm>> -> memref<10240x128xf32, #tpu.memory_space<hbm>>
          tpu.enqueue_indirect_dma source(%dma_start3A_142 : memref<10240x128xf32, #tpu.memory_space<hbm>>) target(%arg10 : memref<64x128xf32, #tpu.memory_space<vmem>>) offsets(%dma_start3A_139 : memref<64xi32, #tpu.memory_space<vmem>>) semaphore(%arg15 : memref<!tpu.dma_semaphore, #tpu.memory_space<semaphore_mem>>)
        } else {
        }
        %add3A_106 = arith.constant 3 : i32
        %add3A_107 = arith.addi %mul3A_46, %add3A_106 : i32
        %dma_wait3A_108 = arith.constant 0 : i32
        %dma_wait3A_109 = arith.constant 0 : i32
        %dma_wait3A_110 = tpu.memref_slice %arg6[%dma_wait3A_108, %dma_wait3A_109] : memref<20x64xi32, #tpu.memory_space<vmem>> -> memref<1x64xi32, #tpu.memory_space<vmem>>
        %dma_wait3A_111 = tpu.memref_squeeze %dma_wait3A_110 : memref<1x64xi32, #tpu.memory_space<vmem>> -> memref<64xi32, #tpu.memory_space<vmem>>
        %dma_wait3A_112 = arith.constant 0 : i32
        %dma_wait3A_113 = arith.constant 0 : i32
        %dma_wait3A_114 = tpu.memref_slice %arg2[%dma_wait3A_112, %dma_wait3A_113] : memref<10240x128xf32, #tpu.memory_space<hbm>> -> memref<10240x128xf32, #tpu.memory_space<hbm>>
        tpu.wait_indirect_dma semaphore(%arg16 : memref<!tpu.dma_semaphore, #tpu.memory_space<semaphore_mem>>) src(%dma_wait3A_114 : memref<10240x128xf32, #tpu.memory_space<hbm>>) dst(%arg11 : memref<64x128xf32, #tpu.memory_space<vmem>>)
        "tpu.region"() ({
          %run_scoped3A_133 = tpu.sem_alloc : memref<!tpu.dma_semaphore, #tpu.memory_space<semaphore_mem>>
          %dma_start3A_134 = arith.constant 0 : i32
          %dma_start3A_135 = tpu.memref_slice %arg7[%add3A_107, %dma_start3A_134] : memref<20x64xi32, #tpu.memory_space<vmem>> -> memref<1x64xi32, #tpu.memory_space<vmem>>
          %dma_start3A_136 = tpu.memref_squeeze %dma_start3A_135 : memref<1x64xi32, #tpu.memory_space<vmem>> -> memref<64xi32, #tpu.memory_space<vmem>>
          %dma_start3A_137 = arith.constant 0 : i32
          %dma_start3A_138 = arith.constant 0 : i32
          %dma_start3A_139 = tpu.memref_slice %arg18[%dma_start3A_137, %dma_start3A_138] : memref<10240x128xf32, #tpu.memory_space<vmem_shared>> -> memref<10240x128xf32, #tpu.memory_space<vmem_shared>>
          tpu.enqueue_indirect_dma source(%arg11 : memref<64x128xf32, #tpu.memory_space<vmem>>) target(%dma_start3A_139 : memref<10240x128xf32, #tpu.memory_space<vmem_shared>>) offsets(%dma_start3A_136 : memref<64xi32, #tpu.memory_space<vmem>>) semaphore(%run_scoped3A_133 : memref<!tpu.dma_semaphore, #tpu.memory_space<semaphore_mem>>) {add = true}
          %dma_wait3A_140 = arith.constant 0 : i32
          %dma_wait3A_141 = tpu.memref_slice %arg7[%add3A_107, %dma_wait3A_140] : memref<20x64xi32, #tpu.memory_space<vmem>> -> memref<1x64xi32, #tpu.memory_space<vmem>>
          %dma_wait3A_142 = tpu.memref_squeeze %dma_wait3A_141 : memref<1x64xi32, #tpu.memory_space<vmem>> -> memref<64xi32, #tpu.memory_space<vmem>>
          %dma_wait3A_143 = arith.constant 0 : i32
          %dma_wait3A_144 = arith.constant 0 : i32
          %dma_wait3A_145 = tpu.memref_slice %arg18[%dma_wait3A_143, %dma_wait3A_144] : memref<10240x128xf32, #tpu.memory_space<vmem_shared>> -> memref<10240x128xf32, #tpu.memory_space<vmem_shared>>
          tpu.wait_indirect_dma semaphore(%run_scoped3A_133 : memref<!tpu.dma_semaphore, #tpu.memory_space<semaphore_mem>>) src(%arg11 : memref<64x128xf32, #tpu.memory_space<vmem>>) dst(%dma_wait3A_145 : memref<10240x128xf32, #tpu.memory_space<vmem_shared>>)
          tpu.yield
        }) : () -> ()
        %add3A_115 = arith.constant 5 : i32
        %add3A_116 = arith.addi %mul3A_46, %add3A_115 : i32
        %add3A_117 = arith.constant 3 : i32
        %add3A_118 = arith.addi %add3A_116, %add3A_117 : i32
        %lt3A_119 = arith.constant 20 : i32
        %lt3A_120 = arith.cmpi slt, %add3A_118, %lt3A_119 : i32
        %convert_element_type3A_121 = arith.extui %lt3A_120 : i1 to i32
        %cond3A_122 = arith.constant 0 : i32
        %cond3A_123 = arith.cmpi ne, %convert_element_type3A_121, %cond3A_122 : i32
        scf.if %cond3A_123 {
          %add3A_133 = arith.constant 5 : i32
          %add3A_134 = arith.addi %mul3A_46, %add3A_133 : i32
          %add3A_135 = arith.constant 3 : i32
          %add3A_136 = arith.addi %add3A_134, %add3A_135 : i32
          %dma_start3A_137 = arith.constant 0 : i32
          %dma_start3A_138 = tpu.memref_slice %arg6[%add3A_136, %dma_start3A_137] : memref<20x64xi32, #tpu.memory_space<vmem>> -> memref<1x64xi32, #tpu.memory_space<vmem>>
          %dma_start3A_139 = tpu.memref_squeeze %dma_start3A_138 : memref<1x64xi32, #tpu.memory_space<vmem>> -> memref<64xi32, #tpu.memory_space<vmem>>
          %dma_start3A_140 = arith.constant 0 : i32
          %dma_start3A_141 = arith.constant 0 : i32
          %dma_start3A_142 = tpu.memref_slice %arg2[%dma_start3A_140, %dma_start3A_141] : memref<10240x128xf32, #tpu.memory_space<hbm>> -> memref<10240x128xf32, #tpu.memory_space<hbm>>
          tpu.enqueue_indirect_dma source(%dma_start3A_142 : memref<10240x128xf32, #tpu.memory_space<hbm>>) target(%arg11 : memref<64x128xf32, #tpu.memory_space<vmem>>) offsets(%dma_start3A_139 : memref<64xi32, #tpu.memory_space<vmem>>) semaphore(%arg16 : memref<!tpu.dma_semaphore, #tpu.memory_space<semaphore_mem>>)
        } else {
        }
        %add3A_124 = arith.constant 4 : i32
        %add3A_125 = arith.addi %mul3A_46, %add3A_124 : i32
        %dma_wait3A_126 = arith.constant 0 : i32
        %dma_wait3A_127 = arith.constant 0 : i32
        %dma_wait3A_128 = tpu.memref_slice %arg6[%dma_wait3A_126, %dma_wait3A_127] : memref<20x64xi32, #tpu.memory_space<vmem>> -> memref<1x64xi32, #tpu.memory_space<vmem>>
        %dma_wait3A_129 = tpu.memref_squeeze %dma_wait3A_128 : memref<1x64xi32, #tpu.memory_space<vmem>> -> memref<64xi32, #tpu.memory_space<vmem>>
        %dma_wait3A_130 = arith.constant 0 : i32
        %dma_wait3A_131 = arith.constant 0 : i32
        %dma_wait3A_132 = tpu.memref_slice %arg2[%dma_wait3A_130, %dma_wait3A_131] : memref<10240x128xf32, #tpu.memory_space<hbm>> -> memref<10240x128xf32, #tpu.memory_space<hbm>>
        tpu.wait_indirect_dma semaphore(%arg17 : memref<!tpu.dma_semaphore, #tpu.memory_space<semaphore_mem>>) src(%dma_wait3A_132 : memref<10240x128xf32, #tpu.memory_space<hbm>>) dst(%arg12 : memref<64x128xf32, #tpu.memory_space<vmem>>)
        "tpu.region"() ({
          %run_scoped3A_133 = tpu.sem_alloc : memref<!tpu.dma_semaphore, #tpu.memory_space<semaphore_mem>>
          %dma_start3A_134 = arith.constant 0 : i32
          %dma_start3A_135 = tpu.memref_slice %arg7[%add3A_125, %dma_start3A_134] : memref<20x64xi32, #tpu.memory_space<vmem>> -> memref<1x64xi32, #tpu.memory_space<vmem>>
          %dma_start3A_136 = tpu.memref_squeeze %dma_start3A_135 : memref<1x64xi32, #tpu.memory_space<vmem>> -> memref<64xi32, #tpu.memory_space<vmem>>
          %dma_start3A_137 = arith.constant 0 : i32
          %dma_start3A_138 = arith.constant 0 : i32
          %dma_start3A_139 = tpu.memref_slice %arg18[%dma_start3A_137, %dma_start3A_138] : memref<10240x128xf32, #tpu.memory_space<vmem_shared>> -> memref<10240x128xf32, #tpu.memory_space<vmem_shared>>
          tpu.enqueue_indirect_dma source(%arg12 : memref<64x128xf32, #tpu.memory_space<vmem>>) target(%dma_start3A_139 : memref<10240x128xf32, #tpu.memory_space<vmem_shared>>) offsets(%dma_start3A_136 : memref<64xi32, #tpu.memory_space<vmem>>) semaphore(%run_scoped3A_133 : memref<!tpu.dma_semaphore, #tpu.memory_space<semaphore_mem>>) {add = true}
          %dma_wait3A_140 = arith.constant 0 : i32
          %dma_wait3A_141 = tpu.memref_slice %arg7[%add3A_125, %dma_wait3A_140] : memref<20x64xi32, #tpu.memory_space<vmem>> -> memref<1x64xi32, #tpu.memory_space<vmem>>
          %dma_wait3A_142 = tpu.memref_squeeze %dma_wait3A_141 : memref<1x64xi32, #tpu.memory_space<vmem>> -> memref<64xi32, #tpu.memory_space<vmem>>
          %dma_wait3A_143 = arith.constant 0 : i32
          %dma_wait3A_144 = arith.constant 0 : i32
          %dma_wait3A_145 = tpu.memref_slice %arg18[%dma_wait3A_143, %dma_wait3A_144] : memref<10240x128xf32, #tpu.memory_space<vmem_shared>> -> memref<10240x128xf32, #tpu.memory_space<vmem_shared>>
          tpu.wait_indirect_dma semaphore(%run_scoped3A_133 : memref<!tpu.dma_semaphore, #tpu.memory_space<semaphore_mem>>) src(%arg12 : memref<64x128xf32, #tpu.memory_space<vmem>>) dst(%dma_wait3A_145 : memref<10240x128xf32, #tpu.memory_space<vmem_shared>>)
          tpu.yield
        }) : () -> ()
      }
      %scan3A_43 = arith.constant 4 : i32
    }
    %scan3A_7 = arith.constant 8 : i32
    %barrier3A_8 = arith.constant 0 : index
    tpu.barrier barrier_id(%barrier3A_8)
    "tpu.region"() ({
      %run_scoped3A = tpu.sem_alloc : memref<!tpu.dma_semaphore, #tpu.memory_space<semaphore_mem>>
      %dma_start3A = arith.constant 0 : i32
      %dma_start3A_9 = tpu.memref_slice %arg5[%arg0, %mul3A_2, %dma_start3A] : memref<2x10240x128xf32, #tpu.memory_space<hbm>> -> memref<1x640x128xf32, #tpu.memory_space<hbm>>
      %dma_start3A_10 = tpu.memref_squeeze %dma_start3A_9 : memref<1x640x128xf32, #tpu.memory_space<hbm>> -> memref<640x128xf32, #tpu.memory_space<hbm>>
      %dma_start3A_11 = arith.constant 0 : i32
      %dma_start3A_12 = tpu.memref_slice %arg18[%mul3A_2, %dma_start3A_11] : memref<10240x128xf32, #tpu.memory_space<vmem_shared>> -> memref<640x128xf32, #tpu.memory_space<vmem_shared>>
      tpu.enqueue_dma source(%dma_start3A_12 : memref<640x128xf32, #tpu.memory_space<vmem_shared>>) target(%dma_start3A_10 : memref<640x128xf32, #tpu.memory_space<hbm>>) target_semaphore(%run_scoped3A : memref<!tpu.dma_semaphore, #tpu.memory_space<semaphore_mem>>)
      %dma_wait3A = arith.constant 0 : i32
      %dma_wait3A_13 = tpu.memref_slice %arg5[%arg0, %mul3A_2, %dma_wait3A] : memref<2x10240x128xf32, #tpu.memory_space<hbm>> -> memref<1x640x128xf32, #tpu.memory_space<hbm>>
      %dma_wait3A_14 = tpu.memref_squeeze %dma_wait3A_13 : memref<1x640x128xf32, #tpu.memory_space<hbm>> -> memref<640x128xf32, #tpu.memory_space<hbm>>
      %dma_wait3A_15 = arith.constant 0 : i32
      %dma_wait3A_16 = tpu.memref_slice %arg18[%mul3A_2, %dma_wait3A_15] : memref<10240x128xf32, #tpu.memory_space<vmem_shared>> -> memref<640x128xf32, #tpu.memory_space<vmem_shared>>
      tpu.wait_dma2 semaphore(%run_scoped3A : memref<!tpu.dma_semaphore, #tpu.memory_space<semaphore_mem>>) src(%dma_wait3A_16 : memref<640x128xf32, #tpu.memory_space<vmem_shared>>) dst(%dma_wait3A_14 : memref<640x128xf32, #tpu.memory_space<hbm>>)
      tpu.yield
    }) : () -> ()
    return
  }
}

#map = affine_map<(d0, d1) -> (0, 0, 0, 0, 0)>
#map1 = affine_map<(d0, d1) -> (0, 0, 0)>
#map2 = affine_map<(d0, d1) -> (0, 0)>
module attributes {stable_mosaic.version = 14 : i64} {
  func.func @_deg_body(%arg0: i32, %arg1: i32, %arg2: memref<2x32x2x40x128xi32, #tpu.memory_space<hbm>>, %arg3: memref<2x128x128xf32, #tpu.memory_space<hbm>>, %arg4: memref<10240x128xf32, #tpu.memory_space<hbm>>, %arg5: memref<2x10240x128xf32, #tpu.memory_space<hbm>>, %arg6: memref<40x128xi32, #tpu.memory_space<vmem>>, %arg7: memref<40x128xi32, #tpu.memory_space<vmem>>, %arg8: memref<128x128xf32, #tpu.memory_space<vmem>>, %arg9: memref<128x128xf32, #tpu.memory_space<vmem>>, %arg10: memref<10240x128xf32, #tpu.memory_space<vmem_shared>>) attributes {dimension_semantics = [#tpu.dimension_semantics<core_parallel>, #tpu.dimension_semantics<subcore_parallel>], iteration_bounds = array<i64: 2, 16>, scalar_prefetch = 0 : i64, scratch_operands = 5 : i64, tpu.core_type = #tpu.core_type<sc_vector_subcore>, window_params = [{transform_indices = #map}, {transform_indices = #map1}, {transform_indices = #map2}, {transform_indices = #map1}]} {
    %mul3A = arith.constant 2 : i32
    %mul3A_0 = arith.muli %arg1, %mul3A : i32
    %add3A = arith.addi %mul3A_0, %arg0 : i32
    %run_scoped3A = arith.constant 0 : i32
    "tpu.region"() ({
      %run_scoped3A_10 = tpu.sem_alloc : memref<!tpu.dma_semaphore, #tpu.memory_space<semaphore_mem>>
      %dma_start3A = arith.constant 0 : i32
      %dma_start3A_11 = arith.constant 0 : i32
      %dma_start3A_12 = tpu.memref_slice %arg3[%run_scoped3A, %dma_start3A, %dma_start3A_11] : memref<2x128x128xf32, #tpu.memory_space<hbm>> -> memref<1x128x128xf32, #tpu.memory_space<hbm>>
      %dma_start3A_13 = tpu.memref_squeeze %dma_start3A_12 : memref<1x128x128xf32, #tpu.memory_space<hbm>> -> memref<128x128xf32, #tpu.memory_space<hbm>>
      %dma_start3A_14 = arith.constant 0 : i32
      %dma_start3A_15 = arith.constant 0 : i32
      %dma_start3A_16 = tpu.memref_slice %arg3[%run_scoped3A, %dma_start3A_14, %dma_start3A_15] : memref<2x128x128xf32, #tpu.memory_space<hbm>> -> memref<1x128x128xf32, #tpu.memory_space<hbm>>
      %dma_start3A_17 = tpu.memref_squeeze %dma_start3A_16 : memref<1x128x128xf32, #tpu.memory_space<hbm>> -> memref<128x128xf32, #tpu.memory_space<hbm>>
      tpu.enqueue_dma source(%dma_start3A_17 : memref<128x128xf32, #tpu.memory_space<hbm>>) target(%arg8 : memref<128x128xf32, #tpu.memory_space<vmem>>) target_semaphore(%run_scoped3A_10 : memref<!tpu.dma_semaphore, #tpu.memory_space<semaphore_mem>>)
      %dma_wait3A = arith.constant 0 : i32
      %dma_wait3A_18 = arith.constant 0 : i32
      %dma_wait3A_19 = tpu.memref_slice %arg3[%run_scoped3A, %dma_wait3A, %dma_wait3A_18] : memref<2x128x128xf32, #tpu.memory_space<hbm>> -> memref<1x128x128xf32, #tpu.memory_space<hbm>>
      %dma_wait3A_20 = tpu.memref_squeeze %dma_wait3A_19 : memref<1x128x128xf32, #tpu.memory_space<hbm>> -> memref<128x128xf32, #tpu.memory_space<hbm>>
      %dma_wait3A_21 = arith.constant 0 : i32
      %dma_wait3A_22 = arith.constant 0 : i32
      %dma_wait3A_23 = tpu.memref_slice %arg3[%run_scoped3A, %dma_wait3A_21, %dma_wait3A_22] : memref<2x128x128xf32, #tpu.memory_space<hbm>> -> memref<1x128x128xf32, #tpu.memory_space<hbm>>
      %dma_wait3A_24 = tpu.memref_squeeze %dma_wait3A_23 : memref<1x128x128xf32, #tpu.memory_space<hbm>> -> memref<128x128xf32, #tpu.memory_space<hbm>>
      tpu.wait_dma2 semaphore(%run_scoped3A_10 : memref<!tpu.dma_semaphore, #tpu.memory_space<semaphore_mem>>) src(%dma_wait3A_24 : memref<128x128xf32, #tpu.memory_space<hbm>>) dst(%arg8 : memref<128x128xf32, #tpu.memory_space<vmem>>)
      tpu.yield
    }) : () -> ()
    %run_scoped3A_1 = arith.constant 1 : i32
    "tpu.region"() ({
      %run_scoped3A_10 = tpu.sem_alloc : memref<!tpu.dma_semaphore, #tpu.memory_space<semaphore_mem>>
      %dma_start3A = arith.constant 0 : i32
      %dma_start3A_11 = arith.constant 0 : i32
      %dma_start3A_12 = tpu.memref_slice %arg3[%run_scoped3A_1, %dma_start3A, %dma_start3A_11] : memref<2x128x128xf32, #tpu.memory_space<hbm>> -> memref<1x128x128xf32, #tpu.memory_space<hbm>>
      %dma_start3A_13 = tpu.memref_squeeze %dma_start3A_12 : memref<1x128x128xf32, #tpu.memory_space<hbm>> -> memref<128x128xf32, #tpu.memory_space<hbm>>
      %dma_start3A_14 = arith.constant 0 : i32
      %dma_start3A_15 = arith.constant 0 : i32
      %dma_start3A_16 = tpu.memref_slice %arg3[%run_scoped3A_1, %dma_start3A_14, %dma_start3A_15] : memref<2x128x128xf32, #tpu.memory_space<hbm>> -> memref<1x128x128xf32, #tpu.memory_space<hbm>>
      %dma_start3A_17 = tpu.memref_squeeze %dma_start3A_16 : memref<1x128x128xf32, #tpu.memory_space<hbm>> -> memref<128x128xf32, #tpu.memory_space<hbm>>
      tpu.enqueue_dma source(%dma_start3A_17 : memref<128x128xf32, #tpu.memory_space<hbm>>) target(%arg9 : memref<128x128xf32, #tpu.memory_space<vmem>>) target_semaphore(%run_scoped3A_10 : memref<!tpu.dma_semaphore, #tpu.memory_space<semaphore_mem>>)
      %dma_wait3A = arith.constant 0 : i32
      %dma_wait3A_18 = arith.constant 0 : i32
      %dma_wait3A_19 = tpu.memref_slice %arg3[%run_scoped3A_1, %dma_wait3A, %dma_wait3A_18] : memref<2x128x128xf32, #tpu.memory_space<hbm>> -> memref<1x128x128xf32, #tpu.memory_space<hbm>>
      %dma_wait3A_20 = tpu.memref_squeeze %dma_wait3A_19 : memref<1x128x128xf32, #tpu.memory_space<hbm>> -> memref<128x128xf32, #tpu.memory_space<hbm>>
      %dma_wait3A_21 = arith.constant 0 : i32
      %dma_wait3A_22 = arith.constant 0 : i32
      %dma_wait3A_23 = tpu.memref_slice %arg3[%run_scoped3A_1, %dma_wait3A_21, %dma_wait3A_22] : memref<2x128x128xf32, #tpu.memory_space<hbm>> -> memref<1x128x128xf32, #tpu.memory_space<hbm>>
      %dma_wait3A_24 = tpu.memref_squeeze %dma_wait3A_23 : memref<1x128x128xf32, #tpu.memory_space<hbm>> -> memref<128x128xf32, #tpu.memory_space<hbm>>
      tpu.wait_dma2 semaphore(%run_scoped3A_10 : memref<!tpu.dma_semaphore, #tpu.memory_space<semaphore_mem>>) src(%dma_wait3A_24 : memref<128x128xf32, #tpu.memory_space<hbm>>) dst(%arg9 : memref<128x128xf32, #tpu.memory_space<vmem>>)
      tpu.yield
    }) : () -> ()
    %mul3A_2 = arith.constant 640 : i32
    %mul3A_3 = arith.muli %arg1, %mul3A_2 : i32
    "tpu.region"() ({
      %run_scoped3A_10 = tpu.sem_alloc : memref<!tpu.dma_semaphore, #tpu.memory_space<semaphore_mem>>
      %dma_start3A = arith.constant 0 : i32
      %dma_start3A_11 = tpu.memref_slice %arg10[%mul3A_3, %dma_start3A] : memref<10240x128xf32, #tpu.memory_space<vmem_shared>> -> memref<640x128xf32, #tpu.memory_space<vmem_shared>>
      %dma_start3A_12 = arith.constant 0 : i32
      %dma_start3A_13 = tpu.memref_slice %arg4[%mul3A_3, %dma_start3A_12] : memref<10240x128xf32, #tpu.memory_space<hbm>> -> memref<640x128xf32, #tpu.memory_space<hbm>>
      tpu.enqueue_dma source(%dma_start3A_13 : memref<640x128xf32, #tpu.memory_space<hbm>>) target(%dma_start3A_11 : memref<640x128xf32, #tpu.memory_space<vmem_shared>>) target_semaphore(%run_scoped3A_10 : memref<!tpu.dma_semaphore, #tpu.memory_space<semaphore_mem>>)
      %dma_wait3A = arith.constant 0 : i32
      %dma_wait3A_14 = tpu.memref_slice %arg10[%mul3A_3, %dma_wait3A] : memref<10240x128xf32, #tpu.memory_space<vmem_shared>> -> memref<640x128xf32, #tpu.memory_space<vmem_shared>>
      %dma_wait3A_15 = arith.constant 0 : i32
      %dma_wait3A_16 = tpu.memref_slice %arg4[%mul3A_3, %dma_wait3A_15] : memref<10240x128xf32, #tpu.memory_space<hbm>> -> memref<640x128xf32, #tpu.memory_space<hbm>>
      tpu.wait_dma2 semaphore(%run_scoped3A_10 : memref<!tpu.dma_semaphore, #tpu.memory_space<semaphore_mem>>) src(%dma_wait3A_16 : memref<640x128xf32, #tpu.memory_space<hbm>>) dst(%dma_wait3A_14 : memref<640x128xf32, #tpu.memory_space<vmem_shared>>)
      tpu.yield
    }) : () -> ()
    %barrier3A = arith.constant 0 : index
    tpu.barrier barrier_id(%barrier3A)
    %scan3A = arith.constant 0 : i32
    %scan3A_4 = arith.constant 0 : i32
    %scan3A_5 = arith.constant 2 : i32
    %scan3A_6 = arith.addi %scan3A_4, %scan3A_5 : i32
    %scan3A_7 = arith.constant 1 : i32
    scf.for %scan3A_10 = %scan3A_4 to %scan3A_6 step %scan3A_7  : i32 {
      %run_scoped3A_11 = arith.constant 0 : i32
      "tpu.region"() ({
        %run_scoped3A_19 = tpu.sem_alloc : memref<!tpu.dma_semaphore, #tpu.memory_space<semaphore_mem>>
        %dma_start3A = arith.constant 0 : i32
        %dma_start3A_20 = arith.constant 0 : i32
        %dma_start3A_21 = tpu.memref_slice %arg2[%run_scoped3A_11, %add3A, %scan3A_10, %dma_start3A, %dma_start3A_20] : memref<2x32x2x40x128xi32, #tpu.memory_space<hbm>> -> memref<1x1x1x40x128xi32, #tpu.memory_space<hbm>>
        %dma_start3A_22 = tpu.memref_squeeze %dma_start3A_21 : memref<1x1x1x40x128xi32, #tpu.memory_space<hbm>> -> memref<40x128xi32, #tpu.memory_space<hbm>>
        %dma_start3A_23 = arith.constant 0 : i32
        %dma_start3A_24 = arith.constant 0 : i32
        %dma_start3A_25 = tpu.memref_slice %arg2[%run_scoped3A_11, %add3A, %scan3A_10, %dma_start3A_23, %dma_start3A_24] : memref<2x32x2x40x128xi32, #tpu.memory_space<hbm>> -> memref<1x1x1x40x128xi32, #tpu.memory_space<hbm>>
        %dma_start3A_26 = tpu.memref_squeeze %dma_start3A_25 : memref<1x1x1x40x128xi32, #tpu.memory_space<hbm>> -> memref<40x128xi32, #tpu.memory_space<hbm>>
        tpu.enqueue_dma source(%dma_start3A_26 : memref<40x128xi32, #tpu.memory_space<hbm>>) target(%arg6 : memref<40x128xi32, #tpu.memory_space<vmem>>) target_semaphore(%run_scoped3A_19 : memref<!tpu.dma_semaphore, #tpu.memory_space<semaphore_mem>>)
        %dma_wait3A = arith.constant 0 : i32
        %dma_wait3A_27 = arith.constant 0 : i32
        %dma_wait3A_28 = tpu.memref_slice %arg2[%run_scoped3A_11, %add3A, %scan3A_10, %dma_wait3A, %dma_wait3A_27] : memref<2x32x2x40x128xi32, #tpu.memory_space<hbm>> -> memref<1x1x1x40x128xi32, #tpu.memory_space<hbm>>
        %dma_wait3A_29 = tpu.memref_squeeze %dma_wait3A_28 : memref<1x1x1x40x128xi32, #tpu.memory_space<hbm>> -> memref<40x128xi32, #tpu.memory_space<hbm>>
        %dma_wait3A_30 = arith.constant 0 : i32
        %dma_wait3A_31 = arith.constant 0 : i32
        %dma_wait3A_32 = tpu.memref_slice %arg2[%run_scoped3A_11, %add3A, %scan3A_10, %dma_wait3A_30, %dma_wait3A_31] : memref<2x32x2x40x128xi32, #tpu.memory_space<hbm>> -> memref<1x1x1x40x128xi32, #tpu.memory_space<hbm>>
        %dma_wait3A_33 = tpu.memref_squeeze %dma_wait3A_32 : memref<1x1x1x40x128xi32, #tpu.memory_space<hbm>> -> memref<40x128xi32, #tpu.memory_space<hbm>>
        tpu.wait_dma2 semaphore(%run_scoped3A_19 : memref<!tpu.dma_semaphore, #tpu.memory_space<semaphore_mem>>) src(%dma_wait3A_33 : memref<40x128xi32, #tpu.memory_space<hbm>>) dst(%arg6 : memref<40x128xi32, #tpu.memory_space<vmem>>)
        tpu.yield
      }) : () -> ()
      %run_scoped3A_12 = arith.constant 1 : i32
      "tpu.region"() ({
        %run_scoped3A_19 = tpu.sem_alloc : memref<!tpu.dma_semaphore, #tpu.memory_space<semaphore_mem>>
        %dma_start3A = arith.constant 0 : i32
        %dma_start3A_20 = arith.constant 0 : i32
        %dma_start3A_21 = tpu.memref_slice %arg2[%run_scoped3A_12, %add3A, %scan3A_10, %dma_start3A, %dma_start3A_20] : memref<2x32x2x40x128xi32, #tpu.memory_space<hbm>> -> memref<1x1x1x40x128xi32, #tpu.memory_space<hbm>>
        %dma_start3A_22 = tpu.memref_squeeze %dma_start3A_21 : memref<1x1x1x40x128xi32, #tpu.memory_space<hbm>> -> memref<40x128xi32, #tpu.memory_space<hbm>>
        %dma_start3A_23 = arith.constant 0 : i32
        %dma_start3A_24 = arith.constant 0 : i32
        %dma_start3A_25 = tpu.memref_slice %arg2[%run_scoped3A_12, %add3A, %scan3A_10, %dma_start3A_23, %dma_start3A_24] : memref<2x32x2x40x128xi32, #tpu.memory_space<hbm>> -> memref<1x1x1x40x128xi32, #tpu.memory_space<hbm>>
        %dma_start3A_26 = tpu.memref_squeeze %dma_start3A_25 : memref<1x1x1x40x128xi32, #tpu.memory_space<hbm>> -> memref<40x128xi32, #tpu.memory_space<hbm>>
        tpu.enqueue_dma source(%dma_start3A_26 : memref<40x128xi32, #tpu.memory_space<hbm>>) target(%arg7 : memref<40x128xi32, #tpu.memory_space<vmem>>) target_semaphore(%run_scoped3A_19 : memref<!tpu.dma_semaphore, #tpu.memory_space<semaphore_mem>>)
        %dma_wait3A = arith.constant 0 : i32
        %dma_wait3A_27 = arith.constant 0 : i32
        %dma_wait3A_28 = tpu.memref_slice %arg2[%run_scoped3A_12, %add3A, %scan3A_10, %dma_wait3A, %dma_wait3A_27] : memref<2x32x2x40x128xi32, #tpu.memory_space<hbm>> -> memref<1x1x1x40x128xi32, #tpu.memory_space<hbm>>
        %dma_wait3A_29 = tpu.memref_squeeze %dma_wait3A_28 : memref<1x1x1x40x128xi32, #tpu.memory_space<hbm>> -> memref<40x128xi32, #tpu.memory_space<hbm>>
        %dma_wait3A_30 = arith.constant 0 : i32
        %dma_wait3A_31 = arith.constant 0 : i32
        %dma_wait3A_32 = tpu.memref_slice %arg2[%run_scoped3A_12, %add3A, %scan3A_10, %dma_wait3A_30, %dma_wait3A_31] : memref<2x32x2x40x128xi32, #tpu.memory_space<hbm>> -> memref<1x1x1x40x128xi32, #tpu.memory_space<hbm>>
        %dma_wait3A_33 = tpu.memref_squeeze %dma_wait3A_32 : memref<1x1x1x40x128xi32, #tpu.memory_space<hbm>> -> memref<40x128xi32, #tpu.memory_space<hbm>>
        tpu.wait_dma2 semaphore(%run_scoped3A_19 : memref<!tpu.dma_semaphore, #tpu.memory_space<semaphore_mem>>) src(%dma_wait3A_33 : memref<40x128xi32, #tpu.memory_space<hbm>>) dst(%arg7 : memref<40x128xi32, #tpu.memory_space<vmem>>)
        tpu.yield
      }) : () -> ()
      %scan3A_13 = arith.constant 0 : i32
      %scan3A_14 = arith.constant 0 : i32
      %scan3A_15 = arith.constant 40 : i32
      %scan3A_16 = arith.addi %scan3A_14, %scan3A_15 : i32
      %scan3A_17 = arith.constant 1 : i32
      scf.for %scan3A_19 = %scan3A_14 to %scan3A_16 step %scan3A_17  : i32 {
        "tpu.region"() ({
          %run_scoped3A_20 = tpu.sem_alloc : memref<!tpu.dma_semaphore, #tpu.memory_space<semaphore_mem>>
          %dma_start3A = arith.constant 0 : i32
          %dma_start3A_21 = tpu.memref_slice %arg6[%scan3A_19, %dma_start3A] : memref<40x128xi32, #tpu.memory_space<vmem>> -> memref<1x128xi32, #tpu.memory_space<vmem>>
          %dma_start3A_22 = tpu.memref_squeeze %dma_start3A_21 : memref<1x128xi32, #tpu.memory_space<vmem>> -> memref<128xi32, #tpu.memory_space<vmem>>
          %dma_start3A_23 = arith.constant 0 : i32
          %dma_start3A_24 = arith.constant 0 : i32
          %dma_start3A_25 = tpu.memref_slice %arg10[%dma_start3A_23, %dma_start3A_24] : memref<10240x128xf32, #tpu.memory_space<vmem_shared>> -> memref<10240x128xf32, #tpu.memory_space<vmem_shared>>
          tpu.enqueue_indirect_dma source(%arg8 : memref<128x128xf32, #tpu.memory_space<vmem>>) target(%dma_start3A_25 : memref<10240x128xf32, #tpu.memory_space<vmem_shared>>) offsets(%dma_start3A_22 : memref<128xi32, #tpu.memory_space<vmem>>) semaphore(%run_scoped3A_20 : memref<!tpu.dma_semaphore, #tpu.memory_space<semaphore_mem>>) {add = true}
          %dma_wait3A = arith.constant 0 : i32
          %dma_wait3A_26 = tpu.memref_slice %arg6[%scan3A_19, %dma_wait3A] : memref<40x128xi32, #tpu.memory_space<vmem>> -> memref<1x128xi32, #tpu.memory_space<vmem>>
          %dma_wait3A_27 = tpu.memref_squeeze %dma_wait3A_26 : memref<1x128xi32, #tpu.memory_space<vmem>> -> memref<128xi32, #tpu.memory_space<vmem>>
          %dma_wait3A_28 = arith.constant 0 : i32
          %dma_wait3A_29 = arith.constant 0 : i32
          %dma_wait3A_30 = tpu.memref_slice %arg10[%dma_wait3A_28, %dma_wait3A_29] : memref<10240x128xf32, #tpu.memory_space<vmem_shared>> -> memref<10240x128xf32, #tpu.memory_space<vmem_shared>>
          tpu.wait_indirect_dma semaphore(%run_scoped3A_20 : memref<!tpu.dma_semaphore, #tpu.memory_space<semaphore_mem>>) src(%arg8 : memref<128x128xf32, #tpu.memory_space<vmem>>) dst(%dma_wait3A_30 : memref<10240x128xf32, #tpu.memory_space<vmem_shared>>)
          tpu.yield
        }) : () -> ()
        "tpu.region"() ({
          %run_scoped3A_20 = tpu.sem_alloc : memref<!tpu.dma_semaphore, #tpu.memory_space<semaphore_mem>>
          %dma_start3A = arith.constant 0 : i32
          %dma_start3A_21 = tpu.memref_slice %arg7[%scan3A_19, %dma_start3A] : memref<40x128xi32, #tpu.memory_space<vmem>> -> memref<1x128xi32, #tpu.memory_space<vmem>>
          %dma_start3A_22 = tpu.memref_squeeze %dma_start3A_21 : memref<1x128xi32, #tpu.memory_space<vmem>> -> memref<128xi32, #tpu.memory_space<vmem>>
          %dma_start3A_23 = arith.constant 0 : i32
          %dma_start3A_24 = arith.constant 0 : i32
          %dma_start3A_25 = tpu.memref_slice %arg10[%dma_start3A_23, %dma_start3A_24] : memref<10240x128xf32, #tpu.memory_space<vmem_shared>> -> memref<10240x128xf32, #tpu.memory_space<vmem_shared>>
          tpu.enqueue_indirect_dma source(%arg9 : memref<128x128xf32, #tpu.memory_space<vmem>>) target(%dma_start3A_25 : memref<10240x128xf32, #tpu.memory_space<vmem_shared>>) offsets(%dma_start3A_22 : memref<128xi32, #tpu.memory_space<vmem>>) semaphore(%run_scoped3A_20 : memref<!tpu.dma_semaphore, #tpu.memory_space<semaphore_mem>>) {add = true}
          %dma_wait3A = arith.constant 0 : i32
          %dma_wait3A_26 = tpu.memref_slice %arg7[%scan3A_19, %dma_wait3A] : memref<40x128xi32, #tpu.memory_space<vmem>> -> memref<1x128xi32, #tpu.memory_space<vmem>>
          %dma_wait3A_27 = tpu.memref_squeeze %dma_wait3A_26 : memref<1x128xi32, #tpu.memory_space<vmem>> -> memref<128xi32, #tpu.memory_space<vmem>>
          %dma_wait3A_28 = arith.constant 0 : i32
          %dma_wait3A_29 = arith.constant 0 : i32
          %dma_wait3A_30 = tpu.memref_slice %arg10[%dma_wait3A_28, %dma_wait3A_29] : memref<10240x128xf32, #tpu.memory_space<vmem_shared>> -> memref<10240x128xf32, #tpu.memory_space<vmem_shared>>
          tpu.wait_indirect_dma semaphore(%run_scoped3A_20 : memref<!tpu.dma_semaphore, #tpu.memory_space<semaphore_mem>>) src(%arg9 : memref<128x128xf32, #tpu.memory_space<vmem>>) dst(%dma_wait3A_30 : memref<10240x128xf32, #tpu.memory_space<vmem_shared>>)
          tpu.yield
        }) : () -> ()
      }
      %scan3A_18 = arith.constant 40 : i32
    }
    %scan3A_8 = arith.constant 2 : i32
    %barrier3A_9 = arith.constant 0 : index
    tpu.barrier barrier_id(%barrier3A_9)
    "tpu.region"() ({
      %run_scoped3A_10 = tpu.sem_alloc : memref<!tpu.dma_semaphore, #tpu.memory_space<semaphore_mem>>
      %dma_start3A = arith.constant 0 : i32
      %dma_start3A_11 = tpu.memref_slice %arg5[%arg0, %mul3A_3, %dma_start3A] : memref<2x10240x128xf32, #tpu.memory_space<hbm>> -> memref<1x640x128xf32, #tpu.memory_space<hbm>>
      %dma_start3A_12 = tpu.memref_squeeze %dma_start3A_11 : memref<1x640x128xf32, #tpu.memory_space<hbm>> -> memref<640x128xf32, #tpu.memory_space<hbm>>
      %dma_start3A_13 = arith.constant 0 : i32
      %dma_start3A_14 = tpu.memref_slice %arg10[%mul3A_3, %dma_start3A_13] : memref<10240x128xf32, #tpu.memory_space<vmem_shared>> -> memref<640x128xf32, #tpu.memory_space<vmem_shared>>
      tpu.enqueue_dma source(%dma_start3A_14 : memref<640x128xf32, #tpu.memory_space<vmem_shared>>) target(%dma_start3A_12 : memref<640x128xf32, #tpu.memory_space<hbm>>) target_semaphore(%run_scoped3A_10 : memref<!tpu.dma_semaphore, #tpu.memory_space<semaphore_mem>>)
      %dma_wait3A = arith.constant 0 : i32
      %dma_wait3A_15 = tpu.memref_slice %arg5[%arg0, %mul3A_3, %dma_wait3A] : memref<2x10240x128xf32, #tpu.memory_space<hbm>> -> memref<1x640x128xf32, #tpu.memory_space<hbm>>
      %dma_wait3A_16 = tpu.memref_squeeze %dma_wait3A_15 : memref<1x640x128xf32, #tpu.memory_space<hbm>> -> memref<640x128xf32, #tpu.memory_space<hbm>>
      %dma_wait3A_17 = arith.constant 0 : i32
      %dma_wait3A_18 = tpu.memref_slice %arg10[%mul3A_3, %dma_wait3A_17] : memref<10240x128xf32, #tpu.memory_space<vmem_shared>> -> memref<640x128xf32, #tpu.memory_space<vmem_shared>>
      tpu.wait_dma2 semaphore(%run_scoped3A_10 : memref<!tpu.dma_semaphore, #tpu.memory_space<semaphore_mem>>) src(%dma_wait3A_18 : memref<640x128xf32, #tpu.memory_space<vmem_shared>>) dst(%dma_wait3A_16 : memref<640x128xf32, #tpu.memory_space<hbm>>)
      tpu.yield
    }) : () -> ()
    return
  }
}

module attributes {stable_mosaic.version = 14 : i64} {
  func.func @_mm_body(%arg0: memref<10240x128xf32, #tpu.memory_space<vmem>>, %arg1: memref<128x128xf32, #tpu.memory_space<vmem>>, %arg2: memref<10240x1xf32, #tpu.memory_space<vmem>>, %arg3: memref<10240x1xf32, #tpu.memory_space<vmem>>, %arg4: memref<10240x128xf32, #tpu.memory_space<vmem>>) attributes {dimension_semantics = [], scalar_prefetch = 0 : i64, scratch_operands = 0 : i64, tpu.core_type = #tpu.core_type<tc>} {
    %get3A = arith.constant 0 : index
    %get3A_0 = arith.constant 0 : index
    %get3A_1 = vector.load %arg2[%get3A, %get3A_0] : memref<10240x1xf32, #tpu.memory_space<vmem>>, vector<10240x1xf32>
    %get3A_2 = arith.constant 0 : index
    %get3A_3 = arith.constant 0 : index
    %get3A_4 = vector.load %arg3[%get3A_2, %get3A_3] : memref<10240x1xf32, #tpu.memory_space<vmem>>, vector<10240x1xf32>
    %add3A = arith.addf %get3A_1, %get3A_4 : vector<10240x1xf32>
    %max3A = arith.constant 1.000000e+00 : f32
    %max3A_5 = vector.broadcast %max3A : f32 to vector<10240x1xf32>
    %max3A_6 = arith.maximumf %add3A, %max3A_5 : vector<10240x1xf32>
    %get3A_7 = arith.constant 0 : index
    %get3A_8 = arith.constant 0 : index
    %get3A_9 = vector.load %arg0[%get3A_7, %get3A_8] : memref<10240x128xf32, #tpu.memory_space<vmem>>, vector<10240x128xf32>
    %get3A_10 = arith.constant 0 : index
    %get3A_11 = arith.constant 0 : index
    %get3A_12 = vector.load %arg1[%get3A_10, %get3A_11] : memref<128x128xf32, #tpu.memory_space<vmem>>, vector<128x128xf32>
    %dot_general3A = arith.constant dense<0.000000e+00> : vector<10240x128xf32>
    %dot_general3A_13 = tpu.matmul %get3A_9, %get3A_12, %dot_general3A {dimension_numbers = #tpu.dot_dimension_numbers<[1], [0], [0], [1], [0, 0, 1, 1], [], []>, transpose_lhs_hint = false} : vector<10240x128xf32>, vector<128x128xf32>, vector<10240x128xf32> -> vector<10240x128xf32>
    %rsqrt3A = math.rsqrt %max3A_6 : vector<10240x1xf32>
    %mul3A = vector.broadcast %rsqrt3A : vector<10240x1xf32> to vector<10240x128xf32>
    %mul3A_14 = arith.mulf %dot_general3A_13, %mul3A : vector<10240x128xf32>
    %swap3A = arith.constant 0 : index
    %swap3A_15 = arith.constant 0 : index
    %swap3A_16 = vector.load %arg4[%swap3A, %swap3A_15] : memref<10240x128xf32, #tpu.memory_space<vmem>>, vector<10240x128xf32>
    tpu.vector_store %arg4[%swap3A, %swap3A_15], %mul3A_14 {strides = array<i32>} : memref<10240x128xf32, #tpu.memory_space<vmem>>, vector<10240x128xf32>,
    return
  }
}

module attributes {stable_mosaic.version = 14 : i64} {
  func.func @_head_body(%arg0: memref<10000x128xf32, #tpu.memory_space<vmem>>, %arg1: memref<10000x128xf32, #tpu.memory_space<vmem>>, %arg2: memref<10000x1xf32, #tpu.memory_space<vmem>>, %arg3: memref<10000x1xf32, #tpu.memory_space<vmem>>, %arg4: memref<1x128xf32, #tpu.memory_space<vmem>>, %arg5: memref<128x128xf32, #tpu.memory_space<vmem>>, %arg6: memref<1x128xf32, #tpu.memory_space<vmem>>, %arg7: memref<128x1xf32, #tpu.memory_space<vmem>>, %arg8: memref<1x1xf32, #tpu.memory_space<vmem>>, %arg9: memref<1x1xf32, #tpu.memory_space<vmem>>) attributes {dimension_semantics = [], scalar_prefetch = 0 : i64, scratch_operands = 0 : i64, tpu.core_type = #tpu.core_type<tc>} {
    %get3A = arith.constant 0 : index
    %get3A_0 = arith.constant 0 : index
    %get3A_1 = vector.load %arg2[%get3A, %get3A_0] : memref<10000x1xf32, #tpu.memory_space<vmem>>, vector<10000x1xf32>
    %get3A_2 = arith.constant 0 : index
    %get3A_3 = arith.constant 0 : index
    %get3A_4 = vector.load %arg3[%get3A_2, %get3A_3] : memref<10000x1xf32, #tpu.memory_space<vmem>>, vector<10000x1xf32>
    %add3A = arith.addf %get3A_1, %get3A_4 : vector<10000x1xf32>
    %max3A = arith.constant 1.000000e+00 : f32
    %max3A_5 = vector.broadcast %max3A : f32 to vector<10000x1xf32>
    %max3A_6 = arith.maximumf %add3A, %max3A_5 : vector<10000x1xf32>
    %get3A_7 = arith.constant 0 : index
    %get3A_8 = arith.constant 0 : index
    %get3A_9 = vector.load %arg0[%get3A_7, %get3A_8] : memref<10000x128xf32, #tpu.memory_space<vmem>>, vector<10000x128xf32>
    %get3A_10 = arith.constant 0 : index
    %get3A_11 = arith.constant 0 : index
    %get3A_12 = vector.load %arg1[%get3A_10, %get3A_11] : memref<10000x128xf32, #tpu.memory_space<vmem>>, vector<10000x128xf32>
    %add3A_13 = arith.addf %get3A_9, %get3A_12 : vector<10000x128xf32>
    %rsqrt3A = math.rsqrt %max3A_6 : vector<10000x1xf32>
    %mul3A = vector.broadcast %rsqrt3A : vector<10000x1xf32> to vector<10000x128xf32>
    %mul3A_14 = arith.mulf %add3A_13, %mul3A : vector<10000x128xf32>
    %get3A_15 = arith.constant 0 : index
    %get3A_16 = arith.constant 0 : index
    %get3A_17 = vector.load %arg4[%get3A_15, %get3A_16] : memref<1x128xf32, #tpu.memory_space<vmem>>, vector<1x128xf32>
    %add3A_18 = vector.broadcast %get3A_17 : vector<1x128xf32> to vector<10000x128xf32>
    %add3A_19 = arith.addf %mul3A_14, %add3A_18 : vector<10000x128xf32>
    %max3A_20 = arith.constant 0.000000e+00 : f32
    %max3A_21 = vector.broadcast %max3A_20 : f32 to vector<10000x128xf32>
    %max3A_22 = arith.maximumf %add3A_19, %max3A_21 : vector<10000x128xf32>
    %reduce_sum3A = arith.constant dense<0.000000e+00> : vector<128xf32>
    %reduce_sum3A_23 = vector.multi_reduction <add>, %max3A_22, %reduce_sum3A [0] : vector<10000x128xf32> to vector<128xf32>
    %broadcast_in_dim3A = vector.shape_cast %reduce_sum3A_23 : vector<128xf32> to vector<1x128xf32>
    %mul3A_24 = arith.constant 9.99999974E-5 : f32
    %mul3A_25 = vector.broadcast %mul3A_24 : f32 to vector<1x128xf32>
    %mul3A_26 = arith.mulf %broadcast_in_dim3A, %mul3A_25 : vector<1x128xf32>
    %get3A_27 = arith.constant 0 : index
    %get3A_28 = arith.constant 0 : index
    %get3A_29 = vector.load %arg5[%get3A_27, %get3A_28] : memref<128x128xf32, #tpu.memory_space<vmem>>, vector<128x128xf32>
    %dot_general3A = arith.constant dense<0.000000e+00> : vector<1x128xf32>
    %dot_general3A_30 = tpu.matmul %mul3A_26, %get3A_29, %dot_general3A {dimension_numbers = #tpu.dot_dimension_numbers<[1], [0], [0], [1], [0, 0, 1, 1], [], []>, transpose_lhs_hint = false} : vector<1x128xf32>, vector<128x128xf32>, vector<1x128xf32> -> vector<1x128xf32>
    %get3A_31 = arith.constant 0 : index
    %get3A_32 = arith.constant 0 : index
    %get3A_33 = vector.load %arg6[%get3A_31, %get3A_32] : memref<1x128xf32, #tpu.memory_space<vmem>>, vector<1x128xf32>
    %add3A_34 = arith.addf %dot_general3A_30, %get3A_33 : vector<1x128xf32>
    %max3A_35 = arith.constant 0.000000e+00 : f32
    %max3A_36 = vector.broadcast %max3A_35 : f32 to vector<1x128xf32>
    %max3A_37 = arith.maximumf %add3A_34, %max3A_36 : vector<1x128xf32>
    %get3A_38 = arith.constant 0 : index
    %get3A_39 = arith.constant 0 : index
    %get3A_40 = vector.load %arg7[%get3A_38, %get3A_39] : memref<128x1xf32, #tpu.memory_space<vmem>>, vector<128x1xf32>
    %dot_general3A_41 = arith.constant dense<0.000000e+00> : vector<1x1xf32>
    %dot_general3A_42 = tpu.matmul %max3A_37, %get3A_40, %dot_general3A_41 {dimension_numbers = #tpu.dot_dimension_numbers<[1], [0], [0], [1], [0, 0, 1, 1], [], []>, transpose_lhs_hint = false} : vector<1x128xf32>, vector<128x1xf32>, vector<1x1xf32> -> vector<1x1xf32>
    %get3A_43 = arith.constant 0 : index
    %get3A_44 = arith.constant 0 : index
    %get3A_45 = vector.load %arg8[%get3A_43, %get3A_44] : memref<1x1xf32, #tpu.memory_space<vmem>>, vector<1x1xf32>
    %add3A_46 = arith.addf %dot_general3A_42, %get3A_45 : vector<1x1xf32>
    %swap3A = arith.constant 0 : index
    %swap3A_47 = arith.constant 0 : index
    %swap3A_48 = vector.load %arg9[%swap3A, %swap3A_47] : memref<1x1xf32, #tpu.memory_space<vmem>>, vector<1x1xf32>
    tpu.vector_store %arg9[%swap3A, %swap3A_47], %add3A_46 {strides = array<i32>} : memref<1x1xf32, #tpu.memory_space<vmem>>, vector<1x1xf32>,
    return
  }
}

</mosaic_0001>

<sc_bundles>
// kernel: kernel.6.cloned.1.call-start
scs
__scs_entry_jumppad:
0x0: {  	(pc) =	sbr.rel $0x88, $3  }
0x1: {  	(tag) =	ssettag $0x0;
	lr =	simm.s32 $0x1  }
0x2: {  	[smem:$0x3F99] =	sst lr;
	_ =	strace $0xD0000000  }
0x3: {  	_ = 	snop  }
0x4: {  	_ = 	snop  }
0x5: {  	_ = 	snop  }
0x6: {  	_ = 	snop  }
0x7: {  	_ = 	snop  }
__scs_overlays_trampoline_lowered:
0x8: {  	[smem:$0x3FA8] =	sst s0  }
0x9: {  	[smem:$0x3FA9] =	sst s1  }
0xa: {  	[smem:$0x3FAA] =	sst s2  }
0xb: {  	[smem:$0x3FAB] =	sst s3  }
0xc: {  	[smem:$0x3FAC] =	sst s4  }
0xd: {  	[smem:$0x3FAD] =	sst s5  }
0xe: {  	[smem:$0x3FAE] =	sst s6  }
0xf: {  	[smem:$0x3FAF] =	sst s7  }
0x10: {  	[smem:$0x3FB0] =	sst s8  }
0x11: {  	[smem:$0x3FB1] =	sst s9;
	s0 =	simm.s32 @!p0 $0x0  }
0x12: {  	s1 =	sld [smem:$0x3F97];
	s0 =	simm.s32 @p0 $0x1  }
0x13: {  	[smem:$0x3FB2] =	sst s0;
	s0 =	simm.s32 @!p1 $0x0  }
0x14: {  	s2 =	sld [smem:$0x3F96];
	s0 =	simm.s32 @p1 $0x1  }
0x15: {  	[smem:$0x3FB3] =	sst s0;
	s0 =	simm.s32 @!p2 $0x0  }
0x16: {  	s3 =	sld [smem:$0x3FDB];
	s0 =	simm.s32 @p2 $0x1  }
0x17: {  	s4 =	simm.s32 $0x1BF5;
	[smem:$0x3FB5] =	sst s0  }
0x18: {  	s0 =	sld [smem:$0x3F98];
	_ =	swait.ge [sflag:s4], $0x0  }
0x19: {  	s7 =	sld [smem:$0x3F99]  }
0x1a: {  	s8 =	sadd.s32 $0xFFFFE003, lr  }
0x1b: {  	s9 =	sadd.s32 $0xFFFFFEF7, lr;
	s5 =	simm.s32 $0xFFFFFFFF;
	p2 =	slt.u32 s8, $0xFFFFF086  }
0x1c: {  	p1 =	slt.u32 s9, $0xF7A;
	s5 =	simm.s32 @!p2 $0x0  }
0x1d: {  	s5 =	simm.s32 @p1 $0x1;
	p0 =	seq.s32 s7, s2  }
0x1e: {  	s7 =	smul.u32 @!p0 $0xF7A, s2;
	p2 =	seq.s32 @!p0 s5, $0x0  }
0x1f: {  	s9 =	smul.u32 $0xF7A, s1;
	s8 =	simm.s32 @!p0 $0x1BF5;
	p2 =	por !p2, p0  }
0x20: {  	[sflag:s8] =	ssyncset.s32 @!p0 $0xFFFFF086;
	s6 =	sadd.s32 @!p0 s3, s7;
	s7 =	simm.s32 @!p0 $0x108  }
0x21: {  	s3 =	sadd.s32 s3, s9;
	s6 =	sadd.s32 @!p0 $0x88, s6;
	s7 =	simm.s32 @p2 $0x1082  }
0x22: {  	[simem:s7], [sflag:s8] =	dma.local @!p0 [hbm:s6], $0xF7A  }
0x23: {  	s9 =	sor.u32 $0xD0000000, s2;
	s6 =	simm.s32 $0x108;
	_ =	swait.ge @!p0 [sflag:s8], $0x0  }
0x24: {  	s3 =	sadd.s32 $0x88, s3;
	s6 =	simm.s32 @!p1 $0x1082;
	[sflag:s4] =	ssyncset.s32 $0xFFFFF086  }
0x25: {  	[simem:s6], [sflag:s4] =	dma.local [hbm:s3], $0xF7A  }
0x26: {  	[smem:$0x3F99] =	sst s1;
	(tag) =	ssettag s2;
	_ =	strace s9  }
0x27: {  	s1 =	sld [smem:$0x3FA9]  }
0x28: {  	s2 =	sld [smem:$0x3FAA]  }
0x29: {  	s4 =	sld [smem:$0x3FAC]  }
0x2a: {  	p0 =	seq.s32 s5, $0x0;
	s5 =	sld [smem:$0x3FAD]  }
0x2b: {  	s6 =	sld [smem:$0x3FAE]  }
0x2c: {  	s7 =	sld [smem:$0x3FAF]  }
0x2d: {  	s3 =	simm.s32 $0x108;
	s8 =	sld [smem:$0x3FB0]  }
0x2e: {  	s3 =	simm.s32 @!p0 $0x1082;
	s9 =	sld [smem:$0x3FB1]  }
0x2f: {  	lr =	sadd.s32 s0, s3;
	s0 =	sld [smem:$0x3FA8]  }
0x30: {  	s3 =	sld [smem:$0x3FAB]  }
0x31: {  	[smem:$0x3FB4] =	sst s10  }
0x32: {  	s10 =	sld [smem:$0x3FB2];
	_ =	sdelay $0x3  }
0x33: {  	p0 =	seq.s32 s10, $0x1;
	s10 =	sld [smem:$0x3FB4];
	_ =	sdelay $0x3  }
0x34: {  	[smem:$0x3FB4] =	sst s10  }
0x35: {  	s10 =	sld [smem:$0x3FB3];
	_ =	sdelay $0x3  }
0x36: {  	p1 =	seq.s32 s10, $0x1;
	s10 =	sld [smem:$0x3FB4];
	_ =	sdelay $0x3  }
0x37: {  	[smem:$0x3FB4] =	sst s10  }
0x38: {  	s10 =	sld [smem:$0x3FB5]  }
0x39: {  	_ = 	snop;
	(pc) =	sbr.ind lr, $3  }
0x3a: {  	_ = 	snop  }
0x3b: {  	_ = 	snop  }
0x3c: {  	p2 =	seq.s32 s10, $0x1;
	s10 =	sld [smem:$0x3FB4]  }
0x3d: {  	_ =	shalt  }
0x3e: {  	_ =	shalt  }
0x3f: {  	_ =	shalt  }
0x40: {  	_ =	shalt  }
0x41: {  	_ =	shalt  }
0x42: {  	_ =	shalt  }
0x43: {  	_ =	shalt  }
0x44: {  	_ =	shalt  }
0x45: {  	_ =	shalt  }
0x46: {  	_ =	shalt  }
0x47: {  	_ =	shalt  }
0x48: {  	_ =	shalt  }
0x49: {  	_ =	shalt  }
0x4a: {  	_ =	shalt  }
0x4b: {  	_ =	shalt  }
0x4c: {  	_ =	shalt  }
0x4d: {  	_ =	shalt  }
0x4e: {  	_ =	shalt  }
0x4f: {  	_ =	shalt  }
0x50: {  	_ =	shalt  }
0x51: {  	_ =	shalt  }
0x52: {  	_ =	shalt  }
0x53: {  	_ =	shalt  }
0x54: {  	_ =	shalt  }
0x55: {  	_ =	shalt  }
0x56: {  	_ =	shalt  }
0x57: {  	_ =	shalt  }
0x58: {  	_ =	shalt  }
0x59: {  	_ =	shalt  }
0x5a: {  	_ =	shalt  }
0x5b: {  	_ =	shalt  }
0x5c: {  	_ =	shalt  }
0x5d: {  	_ =	shalt  }
0x5e: {  	_ =	shalt  }
0x5f: {  	_ =	shalt  }
0x60: {  	_ =	shalt  }
0x61: {  	_ =	shalt  }
0x62: {  	_ =	shalt  }
0x63: {  	_ =	shalt  }
0x64: {  	_ =	shalt  }
0x65: {  	_ =	shalt  }
0x66: {  	_ =	shalt  }
0x67: {  	_ =	shalt  }
0x68: {  	_ =	shalt  }
0x69: {  	_ =	shalt  }
0x6a: {  	_ =	shalt  }
0x6b: {  	_ =	shalt  }
0x6c: {  	_ =	shalt  }
0x6d: {  	_ =	shalt  }
0x6e: {  	_ =	shalt  }
0x6f: {  	_ =	shalt  }
0x70: {  	_ =	shalt  }
0x71: {  	_ =	shalt  }
0x72: {  	_ =	shalt  }
0x73: {  	_ =	shalt  }
0x74: {  	_ =	shalt  }
0x75: {  	_ =	shalt  }
0x76: {  	_ =	shalt  }
0x77: {  	_ =	shalt  }
0x78: {  	_ =	shalt  }
0x79: {  	_ =	shalt  }
0x7a: {  	_ =	shalt  }
0x7b: {  	_ =	shalt  }
0x7c: {  	_ =	shalt  }
0x7d: {  	_ =	shalt  }
0x7e: {  	_ =	shalt  }
0x7f: {  	_ =	shalt  }
0x80: {  	_ =	shalt  }
0x81: {  	_ =	shalt  }
0x82: {  	_ =	shalt  }
0x83: {  	_ =	shalt  }
0x84: {  	_ =	shalt  }
0x85: {  	_ =	shalt  }
0x86: {  	_ =	shalt  }
0x87: {  	_ =	shalt  }
.Lfunc_end0:
.L_simem_size_0:
called_computation_lowered:
.L_overlay_start_0:
0x88: {  	s2 =	sld [smem:$0x3FD9]  }
0x89: {  	s3 =	sld [smem:$0x3FFE];
	_ =	sdelay $0x1  }
0x8a: {  	s1 =	srdreg.scid  }
0x8b: {  	s0 =	sand.u32 $0x1, s1  }
0x8c: {  	s16 =	sshll.u32 s0, $0xA;
	s2 =	sadd.s32 s3, s2  }
0x8d: {  	s2 =	sadd.s32 s2, s16  }
0x8e: {  	[smem:$0x3FC0] =	sst s2  }
0x8f: {  	_ = 	snop  }
0x90: {  	(tm) =	ssettm $0x1  }
0x91: {  	s17 =	sld [smem:$0x3FFB];
	_ =	sdelay $0x3  }
0x92: {  	_ =	strace s17  }
0x93: {  	s2 =	sld [smem:$0x3FFC];
	_ =	sdelay $0x3  }
0x94: {  	_ =	strace s2  }
0x95: {  	s2 =	sld [smem:$0x3FFD];
	_ =	sdelay $0x3  }
0x96: {  	_ =	strace s2  }
0x97: {  	_ =	strace $0x8FFFFFFF  }
0x98: {  	s18 =	sld [smem:$0x3FDB];
	_ =	sdelay $0x1  }
0x99: {  	s19 =	simm.s32 $_scs_section_size  }
0x9a: {  	s4 =	simm.s32 $_size__tile_overlayer_lowered;
	s5 =	simm.s32 $_tile_overlayer_lowered  }
0x9b: {  	s22 =	simm.s32 $0x1BFF;
	s21 =	sshll.u32 s5, $0x1;
	s2 =	sadd.s32 s19, s18  }
0x9c: {  	s6 =	simm.s32 $0x0;
	s20 =	sshll.u32 s4, $0x1;
	s4 =	sadd.s32 s21, s2  }
0x9d: {  	[timem:s6], [sflag:s22] =	dma.local [hbm:s4], s20  }
0x9e: {  	_ =	swait.ge [sflag:s22], s20  }
0x9f: {  	s3 =	ssub.s32 $0x0, s20;
	[sflag:s22] =	ssyncset.done $0x0  }
0xa0: {  	[sflag:s22] =	ssyncadd.s32 s3;
	_ =	sdelay $0x1  }
0xa1: {  	s23 =	simm.s32 $0x1B8B  }
0xa2: {  	_ =	swait.ge [sflag:s23], $0x1  }
0xa3: {  	[sflag:s23] =	ssyncset.done $0x0  }
0xa4: {  	s25 =	simm.s32 $0x1B8E;
	s24 =	sld [smem:$0x3FFE];
	[sflag:s23] =	ssyncadd.s32 $0xFFFFFFFF  }
0xa5: {  	s26 =	simm.s32 $execute0_lowered;
	[smem:$0x3FD2] =	sst s25  }
0xa6: {  	s4 =	sshll.u32 s26, $0x1;
	_ =	strace $0x80000046;
	[dreg:$0x1] =	wrdreg $0xFFFFFFFF  }
0xa7: {  	s28 =	simm.s32 $_size_execute0_lowered;
	s2 =	sadd.s32 s2, s4;
	[dreg:$0x0] =	wrdreg $0x0  }
0xa8: {  	s4 =	sshll.u32 s28, $0x1;
	[dreg:$0x2] =	wrdreg s2  }
0xa9: {  	[dreg:$0x3] =	wrdreg s4  }
0xaa: {  	[dreg:$0x4] =	wrdreg $0xC0  }
0xab: {  	_ =	task [dreg:s6], $0x5FFFF  }
0xac: {  	[dreg:$0x1] =	wrdreg $0xFFFFFFFF  }
0xad: {  	[dreg:$0x0] =	wrdreg $0x60  }
0xae: {  	[dreg:$0x2] =	wrdreg s24  }
0xaf: {  	[dreg:$0x3] =	wrdreg $0xA8000  }
0xb0: {  	[dreg:$0x4] =	wrdreg $0x9  }
0xb1: {  	_ =	task.clear_ibuf [dreg:s6], $0x5FFFF;
	_ =	strace $0x90000046  }
0xb2: {  	s29 =	simm.s32 $0x9;
	_ =	strace $0x80000048  }
0xb3: {  	_ =	swait.ge [sflag:s29], $0x1  }
0xb4: {  	[sflag:s29] =	ssyncadd.s32 $0xFFFFFFFF  }
0xb5: {  	_ =	strace $0x90000048  }
0xb6: {  	_ =	sfence  }
0xb7: {  	s30 =	sld [smem:$0x0];
	_ =	sdelay $0x2  }
0xb8: {  	s31 =	sshll.u32 s1, $0xD;
	s1 =	sshrl.u32 s1, $0x2  }
0xb9: {  	s3 =	sand.u32 $0x4000, s31;
	s1 =	sadd.s32 s1, s30  }
0xba: {  	s0 =	sor.u32 s3, s0;
	s1 =	sshll.u32 s1, $0x11  }
0xbb: {  	s0 =	sor.u32 s1, s0  }
0xbc: {  	s0 =	sadd.s32 $0x8F2B, s0  }
0xbd: {  	[sflag:s0] =	ssyncadd.remote.s32 $0x1  }
0xbe: {  	_ =	sfence.sel $0xFFFF  }
0xbf: {  	[dreg:$0x0] =	wrdreg $0xFFFFFFFF;
	(pc) =	sbr.abs _section_cstart, $3  }
0xc0: {  	[dreg:$0x1] =	wrdreg $0xFFFFFFFF  }
0xc1: {  	_ =	task.clear_ibuf [dreg:s6], $0x2FFFF;
	_ =	strace $0x9FFFFFFF  }
0xc2: {  	(tm) =	ssettm $0x7FFFFFFF  }
0xc3: {  	_ =	shalt  }
tec
execute0_lowered:
.L_overlay_start_1:
0x0: {  	(tag) =	ssettag $0x1  }
0x1: {  	s1 =	srdreg.scid  }
0x2: {  	s0 =	stileid.u32;
	s5 =	rddreg [dreg:$0x0]  }
0x3: {  	s2 =	rddreg [dreg:$0x1];
	s3 =	simm.s32 $0x0;
	s13 =	simm.s32 $0x2800  }
0x4: {  	s14 =	simm.s32 $0x1;
	s15 =	simm.s32 $0x6800;
	s18 =	simm.s32 $0x1400  }
0x5: {  	s19 =	simm.s32 $0x80;
	s20 =	simm.s32 $0x0;
	s6 =	sand.u32 $0x1, s1  }
0x6: {  	s29 =	sshll.u32 s0, $0x1;
	s1 =	rddreg [dreg:$0x2];
	s7 =	smul.u32 $0x14000, s0  }
0x7: {  	[smem:$0x7FF] =	sst s3;
	s30 =	smul.u32 $0x50000, s0;
	s16 =	sshll.u32 s0, $0x6  }
0x8: {  	s4 =	sor.u32 s6, s29;
	_ =	strace $0x80000047;
	s8 =	smul.u32 $0x140000, s6  }
0x9: {  	s6 =	ssub.s32 $0x2, s6;
	s16 =	sor.u32 $0x1C01, s16;
	s4 =	smul.u32 $0x2800, s4  }
0xa: {  	s9 =	sshrl.u32 s7, $0x3;
	s10 =	sshrl.u32 s6, $0x1;
	s31 =	sshrl.u32 s30, $0x2  }
0xb: {  	s7 =	sadd.s32 s7, s8;
	s9 =	sadd.s32 s9, s5;
	s10 =	ssub.s32 s6, s10  }
0xc: {  	s17 =	sadd.s32 s31, s2;
	s4 =	sshrl.u32 s4, $0x3;
	s7 =	sshrl.u32 s7, $0x3  }
0xd: {  	s6 =	sadd.s32 $0x18000, s9;
	s8 =	smax.u32 s10, $0x1;
	s17 =	sshrl.u32 s17, $0x3  }
0xe: {  	s12 =	sadd.s32 s4, s5;
	s4 =	sadd.s32 $0x17000, s5;
	s7 =	sadd.s32 s7, s5  }
0xf: {  	s5 =	sadd.s32 $0x17800, s5;
	s7 =	sadd.s32 $0x40000, s7;
	s9 =	sadd.s32 $0x3000, s12  }
0x10: {  	s10 =	sadd.s32 $0xD000, s12;
	s11 =	sadd.s32 $0x3280, s12;
	s12 =	sadd.s32 $0xD280, s12  }
.LBB2_1:
0x11: {  	[tilespmem:s13], [sflag:$0x1] =	stream.linear.gather [hbm4b:s4+s3], $0x4000, $0x38;
	[tilespmem:$0x1E800] =	vst v63  }
0x12: {  	_ =	swait.ge [sflag:s14], $0x4000  }
0x13: {  	[sflag:s14] =	ssyncset.done $0x0  }
0x14: {  	[sflag:s14] =	ssyncadd.s32 $0xFFFFC000  }
0x15: {  	[tilespmem:s15], [sflag:$0x1] =	stream.linear.gather [hbm4b:s5+s3], $0x4000, $0x38;
	[tilespmem:$0x1E800] =	vst v63  }
0x16: {  	_ =	swait.ge [sflag:s14], $0x4000  }
0x17: {  	[sflag:s14] =	ssyncset.done $0x0  }
0x18: {  	[sflag:s14] =	ssyncadd.s32 $0xFFFFC000  }
0x19: {  	[spmem:s17], [sflag:s16] =	dma.local [hbm:s6], $0x2800  }
0x1a: {  	_ =	swait.ge [sflag:s14], $0x2800  }
0x1b: {  	[sflag:s14] =	ssyncset.done $0x0  }
0x1c: {  	[sflag:s14] =	ssyncadd.s32 $0xFFFFD800  }
0x1d: {  	[bflag:$0x0] =	sbarrier.arrive $0xFFFF  }
0x1e: {  	[tilespmem:s3], [sflag:$0x1] =	stream.linear.gather [hbm4b:s9+s3], $0x1400, $0x38;
	[tilespmem:$0x1E800] =	vst v63  }
0x1f: {  	_ =	swait.ge [sflag:s14], $0x1400  }
0x20: {  	[sflag:s14] =	ssyncset.done $0x0  }
0x21: {  	[sflag:s14] =	ssyncadd.s32 $0xFFFFEC00  }
0x22: {  	[tilespmem:s18], [sflag:$0x1] =	stream.linear.gather [hbm4b:s10+s3], $0x1400, $0x38;
	[tilespmem:$0x1E800] =	vst v63  }
0x23: {  	_ =	swait.ge [sflag:s14], $0x1400  }
0x24: {  	[sflag:s14] =	ssyncset.done $0x0  }
0x25: {  	s21 =	simm.s32 $0x0;
	[sflag:s14] =	ssyncadd.s32 $0xFFFFEC00  }
0x26: {  	[spmem:s2] =	stream.indirect.scatter.add.f32 [tilespmem:s13], [sflag:$0x1], $0x80, s21, s19, $0xb8;
	[tilespmem:$0x1E800] =	vst v63  }
0x27: {  	_ =	swait.ge [sflag:s14], $0x4000  }
0x28: {  	[sflag:s14] =	ssyncset.done $0x0  }
0x29: {  	s31 =	simm.s32 $0x1400;
	[sflag:s14] =	ssyncadd.s32 $0xFFFFC000  }
0x2a: {  	[spmem:s2] =	stream.indirect.scatter.add.f32 [tilespmem:s15], [sflag:$0x1], $0x80, s31, s19, $0xb8;
	[tilespmem:$0x1E800] =	vst v63  }
0x2b: {  	_ =	swait.ge [sflag:s14], $0x4000  }
0x2c: {  	s22 =	simm.s32 $0x400;
	s21 =	simm.s32 $0x200;
	[sflag:s14] =	ssyncset.done $0x0  }
.LBB2_2:
0x2d: {  	s23 =	sshra.s32 s21, $0x2  }
0x2e: {  	[sflag:s14] =	ssyncadd.s32 $0xFFFFC000;
	s21 =	smov.u32 s22;
	s24 =	sadd.s32 $0x200, s22  }
0x2f: {  	[spmem:s2] =	stream.indirect.scatter.add.f32 [tilespmem:s13], [sflag:$0x1], $0x80, s23, s19, $0xb8;
	[tilespmem:$0x1E800] =	vst v63  }
0x30: {  	p0 =	sne.s32 s22, $0x4E00;
	_ =	swait.ge [sflag:s14], $0x4000  }
.Ltmp0:
0x31: {  	[sflag:s14] =	ssyncset.done $0x0;
	(pc) =	sbr.rel @p0 .LBB2_2-.Ltmp0, $4  }
0x32: {  	s22 =	sadd.s32 $0x1400, s23;
	[sflag:s14] =	ssyncadd.s32 $0xFFFFC000  }
0x33: {  	[spmem:s2] =	stream.indirect.scatter.add.f32 [tilespmem:s15], [sflag:$0x1], $0x80, s22, s19, $0xb8;
	[tilespmem:$0x1E800] =	vst v63  }
0x34: {  	_ =	swait.ge [sflag:s14], $0x4000  }
0x35: {  	s22 =	smov.u32 s24;
	[sflag:s14] =	ssyncset.done $0x0  }
0x36: {  	s21 =	sshra.s32 s21, $0x2;
	[sflag:s14] =	ssyncadd.s32 $0xFFFFC000  }
0x37: {  	[spmem:s2] =	stream.indirect.scatter.add.f32 [tilespmem:s13], [sflag:$0x1], $0x80, s21, s19, $0xb8;
	[tilespmem:$0x1E800] =	vst v63  }
0x38: {  	_ =	swait.ge [sflag:s14], $0x4000  }
0x39: {  	[sflag:s14] =	ssyncset.done $0x0  }
0x3a: {  	s21 =	sadd.s32 $0x1400, s21;
	[sflag:s14] =	ssyncadd.s32 $0xFFFFC000  }
0x3b: {  	[spmem:s2] =	stream.indirect.scatter.add.f32 [tilespmem:s15], [sflag:$0x1], $0x80, s21, s19, $0xb8;
	[tilespmem:$0x1E800] =	vst v63  }
0x3c: {  	_ =	swait.ge [sflag:s14], $0x4000  }
0x3d: {  	[sflag:s14] =	ssyncset.done $0x0  }
0x3e: {  	s29 =	simm.s32 $0x0;
	[sflag:s14] =	ssyncadd.s32 $0xFFFFC000  }
0x3f: {  	[tilespmem:s29], [sflag:$0x1] =	stream.linear.gather [hbm4b:s11+s29], $0x1400, $0x38;
	[tilespmem:$0x1E800] =	vst v63  }
0x40: {  	_ =	swait.ge [sflag:s14], $0x1400  }
0x41: {  	[sflag:s14] =	ssyncset.done $0x0  }
0x42: {  	[sflag:s14] =	ssyncadd.s32 $0xFFFFEC00  }
0x43: {  	[tilespmem:s18], [sflag:$0x1] =	stream.linear.gather [hbm4b:s12+s29], $0x1400, $0x38;
	[tilespmem:$0x1E800] =	vst v63  }
0x44: {  	_ =	swait.ge [sflag:s14], $0x1400  }
0x45: {  	[sflag:s14] =	ssyncset.done $0x0  }
0x46: {  	s30 =	simm.s32 $0x0;
	[sflag:s14] =	ssyncadd.s32 $0xFFFFEC00  }
0x47: {  	[spmem:s2] =	stream.indirect.scatter.add.f32 [tilespmem:s13], [sflag:$0x1], $0x80, s30, s19, $0xb8;
	[tilespmem:$0x1E800] =	vst v63  }
0x48: {  	_ =	swait.ge [sflag:s14], $0x4000  }
0x49: {  	[sflag:s14] =	ssyncset.done $0x0  }
0x4a: {  	s31 =	simm.s32 $0x1400;
	[sflag:s14] =	ssyncadd.s32 $0xFFFFC000  }
0x4b: {  	[spmem:s2] =	stream.indirect.scatter.add.f32 [tilespmem:s15], [sflag:$0x1], $0x80, s31, s19, $0xb8;
	[tilespmem:$0x1E800] =	vst v63  }
0x4c: {  	_ =	swait.ge [sflag:s14], $0x4000  }
0x4d: {  	s22 =	simm.s32 $0x400;
	s21 =	simm.s32 $0x200;
	[sflag:s14] =	ssyncset.done $0x0  }
.LBB2_4:
0x4e: {  	s23 =	sshra.s32 s21, $0x2  }
0x4f: {  	[sflag:s14] =	ssyncadd.s32 $0xFFFFC000;
	s21 =	smov.u32 s22;
	s24 =	sadd.s32 $0x200, s22  }
0x50: {  	[spmem:s2] =	stream.indirect.scatter.add.f32 [tilespmem:s13], [sflag:$0x1], $0x80, s23, s19, $0xb8;
	[tilespmem:$0x1E800] =	vst v63  }
0x51: {  	p0 =	sne.s32 s22, $0x4E00;
	_ =	swait.ge [sflag:s14], $0x4000  }
.Ltmp1:
0x52: {  	[sflag:s14] =	ssyncset.done $0x0;
	(pc) =	sbr.rel @p0 .LBB2_4-.Ltmp1, $4  }
0x53: {  	s22 =	sadd.s32 $0x1400, s23;
	[sflag:s14] =	ssyncadd.s32 $0xFFFFC000  }
0x54: {  	[spmem:s2] =	stream.indirect.scatter.add.f32 [tilespmem:s15], [sflag:$0x1], $0x80, s22, s19, $0xb8;
	[tilespmem:$0x1E800] =	vst v63  }
0x55: {  	_ =	swait.ge [sflag:s14], $0x4000  }
0x56: {  	s22 =	smov.u32 s24;
	[sflag:s14] =	ssyncset.done $0x0  }
0x57: {  	s21 =	sshra.s32 s21, $0x2;
	[sflag:s14] =	ssyncadd.s32 $0xFFFFC000  }
0x58: {  	[spmem:s2] =	stream.indirect.scatter.add.f32 [tilespmem:s13], [sflag:$0x1], $0x80, s21, s19, $0xb8;
	[tilespmem:$0x1E800] =	vst v63  }
0x59: {  	_ =	swait.ge [sflag:s14], $0x4000  }
0x5a: {  	[sflag:s14] =	ssyncset.done $0x0  }
0x5b: {  	s21 =	sadd.s32 $0x1400, s21;
	[sflag:s14] =	ssyncadd.s32 $0xFFFFC000  }
0x5c: {  	[spmem:s2] =	stream.indirect.scatter.add.f32 [tilespmem:s15], [sflag:$0x1], $0x80, s21, s19, $0xb8;
	[tilespmem:$0x1E800] =	vst v63  }
0x5d: {  	_ =	swait.ge [sflag:s14], $0x4000  }
0x5e: {  	s20 =	sadd.s32 $0x1, s20;
	[sflag:s14] =	ssyncset.done $0x0  }
0x5f: {  	p0 =	sne.s32 s20, s8;
	[sflag:s14] =	ssyncadd.s32 $0xFFFFC000  }
.Ltmp2:
0x60: {  	[bflag:$0x0] =	sbarrier.arrive $0xFFFF;
	(pc) =	sbr.rel @p0 .LBB2_1-.Ltmp2, $4  }
0x61: {  	[hbm:s7], [sflag:s16] =	dma.local [spmem:s17], $0x2800  }
0x62: {  	_ =	swait.ge [sflag:s14], $0x2800  }
0x63: {  	[sflag:s14] =	ssyncset.done $0x0  }
0x64: {  	[sflag:s14] =	ssyncadd.s32 $0xFFFFD800  }
0x65: {  	_ =	sfence.sel $0x180000  }
0x66: {  	[bflag:$0x0] =	sbarrier.arrive $0xFFFF  }
0x67: {  	p0 =	sne.s32 s0, $0x0;
	_ =	strace $0x90000047  }
0x68: {  	s0 =	sadd.s32 @!p0 $0x100000, s1;
	[bflag:$0x2] =	sbarrier.arrive $0xFFFF  }
0x69: {  	[sflag:s0] =	ssyncadd.tile.s32 @!p0 $0x1;
	_ =	shalt  }
.Lfunc_end2:
_tile_overlayer_lowered:
.L_overlay_start_2:
0x6a: {  	(tag) =	ssettag $0x2  }
0x6b: {  	s0 =	rddreg [dreg:$0x0];
	s2 =	stileid.u32  }
0x6c: {  	s1 =	rddreg [dreg:$0x1];
	p0 =	sne.s32 s2, $0x0  }
0x6d: {  	s3 =	rddreg [dreg:$0x2];
	[bflag:$0x3] =	sbarrier.arrive $0xFFFF;
	s2 =	simm.s32 @!p0 $0x1C01  }
0x6e: {  	[timem:s3], [sflag:s2] =	dma.local @!p0 [hbm:s0], s1  }
0x6f: {  	s0 =	simm.s32 @!p0 $0x1  }
0x70: {  	_ =	swait.ge @!p0 [sflag:s0], s1  }
0x71: {  	s1 =	ssub.s32 @!p0 $0x0, s1;
	[sflag:s0] =	ssyncset.done @!p0 $0x0  }
0x72: {  	[sflag:s0] =	ssyncadd.s32 @!p0 s1  }
0x73: {  	[bflag:$0x3] =	sbarrier.arrive $0xFFFF  }
0x74: {  	_ =	shalt  }

// kernel: kernel.9.cloned.1.call-start
scs
__scs_entry_jumppad:
0x0: {  	(pc) =	sbr.rel $0x88, $3  }
0x1: {  	(tag) =	ssettag $0x0;
	lr =	simm.s32 $0x1  }
0x2: {  	[smem:$0x3F99] =	sst lr;
	_ =	strace $0xD0000000  }
0x3: {  	_ = 	snop  }
0x4: {  	_ = 	snop  }
0x5: {  	_ = 	snop  }
0x6: {  	_ = 	snop  }
0x7: {  	_ = 	snop  }
__scs_overlays_trampoline_lowered:
0x8: {  	[smem:$0x3FA8] =	sst s0  }
0x9: {  	[smem:$0x3FA9] =	sst s1  }
0xa: {  	[smem:$0x3FAA] =	sst s2  }
0xb: {  	[smem:$0x3FAB] =	sst s3  }
0xc: {  	[smem:$0x3FAC] =	sst s4  }
0xd: {  	[smem:$0x3FAD] =	sst s5  }
0xe: {  	[smem:$0x3FAE] =	sst s6  }
0xf: {  	[smem:$0x3FAF] =	sst s7  }
0x10: {  	[smem:$0x3FB0] =	sst s8  }
0x11: {  	[smem:$0x3FB1] =	sst s9;
	s0 =	simm.s32 @!p0 $0x0  }
0x12: {  	s1 =	sld [smem:$0x3F97];
	s0 =	simm.s32 @p0 $0x1  }
0x13: {  	[smem:$0x3FB2] =	sst s0;
	s0 =	simm.s32 @!p1 $0x0  }
0x14: {  	s2 =	sld [smem:$0x3F96];
	s0 =	simm.s32 @p1 $0x1  }
0x15: {  	[smem:$0x3FB3] =	sst s0;
	s0 =	simm.s32 @!p2 $0x0  }
0x16: {  	s3 =	sld [smem:$0x3FDB];
	s0 =	simm.s32 @p2 $0x1  }
0x17: {  	s4 =	simm.s32 $0x1BF5;
	[smem:$0x3FB5] =	sst s0  }
0x18: {  	s0 =	sld [smem:$0x3F98];
	_ =	swait.ge [sflag:s4], $0x0  }
0x19: {  	s7 =	sld [smem:$0x3F99]  }
0x1a: {  	s8 =	sadd.s32 $0xFFFFE003, lr  }
0x1b: {  	s9 =	sadd.s32 $0xFFFFFEF7, lr;
	s5 =	simm.s32 $0xFFFFFFFF;
	p2 =	slt.u32 s8, $0xFFFFF086  }
0x1c: {  	p1 =	slt.u32 s9, $0xF7A;
	s5 =	simm.s32 @!p2 $0x0  }
0x1d: {  	s5 =	simm.s32 @p1 $0x1;
	p0 =	seq.s32 s7, s2  }
0x1e: {  	s7 =	smul.u32 @!p0 $0xF7A, s2;
	p2 =	seq.s32 @!p0 s5, $0x0  }
0x1f: {  	s9 =	smul.u32 $0xF7A, s1;
	s8 =	simm.s32 @!p0 $0x1BF5;
	p2 =	por !p2, p0  }
0x20: {  	[sflag:s8] =	ssyncset.s32 @!p0 $0xFFFFF086;
	s6 =	sadd.s32 @!p0 s3, s7;
	s7 =	simm.s32 @!p0 $0x108  }
0x21: {  	s3 =	sadd.s32 s3, s9;
	s6 =	sadd.s32 @!p0 $0x88, s6;
	s7 =	simm.s32 @p2 $0x1082  }
0x22: {  	[simem:s7], [sflag:s8] =	dma.local @!p0 [hbm:s6], $0xF7A  }
0x23: {  	s9 =	sor.u32 $0xD0000000, s2;
	s6 =	simm.s32 $0x108;
	_ =	swait.ge @!p0 [sflag:s8], $0x0  }
0x24: {  	s3 =	sadd.s32 $0x88, s3;
	s6 =	simm.s32 @!p1 $0x1082;
	[sflag:s4] =	ssyncset.s32 $0xFFFFF086  }
0x25: {  	[simem:s6], [sflag:s4] =	dma.local [hbm:s3], $0xF7A  }
0x26: {  	[smem:$0x3F99] =	sst s1;
	(tag) =	ssettag s2;
	_ =	strace s9  }
0x27: {  	s1 =	sld [smem:$0x3FA9]  }
0x28: {  	s2 =	sld [smem:$0x3FAA]  }
0x29: {  	s4 =	sld [smem:$0x3FAC]  }
0x2a: {  	p0 =	seq.s32 s5, $0x0;
	s5 =	sld [smem:$0x3FAD]  }
0x2b: {  	s6 =	sld [smem:$0x3FAE]  }
0x2c: {  	s7 =	sld [smem:$0x3FAF]  }
0x2d: {  	s3 =	simm.s32 $0x108;
	s8 =	sld [smem:$0x3FB0]  }
0x2e: {  	s3 =	simm.s32 @!p0 $0x1082;
	s9 =	sld [smem:$0x3FB1]  }
0x2f: {  	lr =	sadd.s32 s0, s3;
	s0 =	sld [smem:$0x3FA8]  }
0x30: {  	s3 =	sld [smem:$0x3FAB]  }
0x31: {  	[smem:$0x3FB4] =	sst s10  }
0x32: {  	s10 =	sld [smem:$0x3FB2];
	_ =	sdelay $0x3  }
0x33: {  	p0 =	seq.s32 s10, $0x1;
	s10 =	sld [smem:$0x3FB4];
	_ =	sdelay $0x3  }
0x34: {  	[smem:$0x3FB4] =	sst s10  }
0x35: {  	s10 =	sld [smem:$0x3FB3];
	_ =	sdelay $0x3  }
0x36: {  	p1 =	seq.s32 s10, $0x1;
	s10 =	sld [smem:$0x3FB4];
	_ =	sdelay $0x3  }
0x37: {  	[smem:$0x3FB4] =	sst s10  }
0x38: {  	s10 =	sld [smem:$0x3FB5]  }
0x39: {  	_ = 	snop;
	(pc) =	sbr.ind lr, $3  }
0x3a: {  	_ = 	snop  }
0x3b: {  	_ = 	snop  }
0x3c: {  	p2 =	seq.s32 s10, $0x1;
	s10 =	sld [smem:$0x3FB4]  }
0x3d: {  	_ =	shalt  }
0x3e: {  	_ =	shalt  }
0x3f: {  	_ =	shalt  }
0x40: {  	_ =	shalt  }
0x41: {  	_ =	shalt  }
0x42: {  	_ =	shalt  }
0x43: {  	_ =	shalt  }
0x44: {  	_ =	shalt  }
0x45: {  	_ =	shalt  }
0x46: {  	_ =	shalt  }
0x47: {  	_ =	shalt  }
0x48: {  	_ =	shalt  }
0x49: {  	_ =	shalt  }
0x4a: {  	_ =	shalt  }
0x4b: {  	_ =	shalt  }
0x4c: {  	_ =	shalt  }
0x4d: {  	_ =	shalt  }
0x4e: {  	_ =	shalt  }
0x4f: {  	_ =	shalt  }
0x50: {  	_ =	shalt  }
0x51: {  	_ =	shalt  }
0x52: {  	_ =	shalt  }
0x53: {  	_ =	shalt  }
0x54: {  	_ =	shalt  }
0x55: {  	_ =	shalt  }
0x56: {  	_ =	shalt  }
0x57: {  	_ =	shalt  }
0x58: {  	_ =	shalt  }
0x59: {  	_ =	shalt  }
0x5a: {  	_ =	shalt  }
0x5b: {  	_ =	shalt  }
0x5c: {  	_ =	shalt  }
0x5d: {  	_ =	shalt  }
0x5e: {  	_ =	shalt  }
0x5f: {  	_ =	shalt  }
0x60: {  	_ =	shalt  }
0x61: {  	_ =	shalt  }
0x62: {  	_ =	shalt  }
0x63: {  	_ =	shalt  }
0x64: {  	_ =	shalt  }
0x65: {  	_ =	shalt  }
0x66: {  	_ =	shalt  }
0x67: {  	_ =	shalt  }
0x68: {  	_ =	shalt  }
0x69: {  	_ =	shalt  }
0x6a: {  	_ =	shalt  }
0x6b: {  	_ =	shalt  }
0x6c: {  	_ =	shalt  }
0x6d: {  	_ =	shalt  }
0x6e: {  	_ =	shalt  }
0x6f: {  	_ =	shalt  }
0x70: {  	_ =	shalt  }
0x71: {  	_ =	shalt  }
0x72: {  	_ =	shalt  }
0x73: {  	_ =	shalt  }
0x74: {  	_ =	shalt  }
0x75: {  	_ =	shalt  }
0x76: {  	_ =	shalt  }
0x77: {  	_ =	shalt  }
0x78: {  	_ =	shalt  }
0x79: {  	_ =	shalt  }
0x7a: {  	_ =	shalt  }
0x7b: {  	_ =	shalt  }
0x7c: {  	_ =	shalt  }
0x7d: {  	_ =	shalt  }
0x7e: {  	_ =	shalt  }
0x7f: {  	_ =	shalt  }
0x80: {  	_ =	shalt  }
0x81: {  	_ =	shalt  }
0x82: {  	_ =	shalt  }
0x83: {  	_ =	shalt  }
0x84: {  	_ =	shalt  }
0x85: {  	_ =	shalt  }
0x86: {  	_ =	shalt  }
0x87: {  	_ =	shalt  }
.Lfunc_end0:
.L_simem_size_0:
called_computation.1_lowered:
.L_overlay_start_0:
0x88: {  	s2 =	sld [smem:$0x3FD9]  }
0x89: {  	s3 =	sld [smem:$0x3FFE];
	_ =	sdelay $0x1  }
0x8a: {  	s1 =	srdreg.scid  }
0x8b: {  	s0 =	sand.u32 $0x1, s1  }
0x8c: {  	s16 =	sshll.u32 s0, $0xA;
	s2 =	sadd.s32 s3, s2  }
0x8d: {  	s2 =	sadd.s32 s2, s16  }
0x8e: {  	[smem:$0x3FC0] =	sst s2  }
0x8f: {  	_ = 	snop  }
0x90: {  	(tm) =	ssettm $0x1  }
0x91: {  	s17 =	sld [smem:$0x3FFB];
	_ =	sdelay $0x3  }
0x92: {  	_ =	strace s17  }
0x93: {  	s2 =	sld [smem:$0x3FFC];
	_ =	sdelay $0x3  }
0x94: {  	_ =	strace s2  }
0x95: {  	s2 =	sld [smem:$0x3FFD];
	_ =	sdelay $0x3  }
0x96: {  	_ =	strace s2  }
0x97: {  	_ =	strace $0x8FFFFFFF  }
0x98: {  	s18 =	sld [smem:$0x3FDB];
	_ =	sdelay $0x1  }
0x99: {  	s19 =	simm.s32 $_scs_section_size  }
0x9a: {  	s4 =	simm.s32 $_size__tile_overlayer_lowered;
	s5 =	simm.s32 $_tile_overlayer_lowered  }
0x9b: {  	s22 =	simm.s32 $0x1BFF;
	s21 =	sshll.u32 s5, $0x1;
	s2 =	sadd.s32 s19, s18  }
0x9c: {  	s6 =	simm.s32 $0x0;
	s20 =	sshll.u32 s4, $0x1;
	s4 =	sadd.s32 s21, s2  }
0x9d: {  	[timem:s6], [sflag:s22] =	dma.local [hbm:s4], s20  }
0x9e: {  	_ =	swait.ge [sflag:s22], s20  }
0x9f: {  	s3 =	ssub.s32 $0x0, s20;
	[sflag:s22] =	ssyncset.done $0x0  }
0xa0: {  	[sflag:s22] =	ssyncadd.s32 s3;
	_ =	sdelay $0x1  }
0xa1: {  	s23 =	simm.s32 $0x1B8B  }
0xa2: {  	_ =	swait.ge [sflag:s23], $0x1  }
0xa3: {  	[sflag:s23] =	ssyncset.done $0x0  }
0xa4: {  	s25 =	simm.s32 $0x1B8E;
	s24 =	sld [smem:$0x3FFE];
	[sflag:s23] =	ssyncadd.s32 $0xFFFFFFFF  }
0xa5: {  	s26 =	simm.s32 $execute0_lowered;
	[smem:$0x3FD2] =	sst s25  }
0xa6: {  	s4 =	sshll.u32 s26, $0x1;
	_ =	strace $0x80000049;
	[dreg:$0x1] =	wrdreg $0xFFFFFFFF  }
0xa7: {  	s28 =	simm.s32 $_size_execute0_lowered;
	s2 =	sadd.s32 s2, s4;
	[dreg:$0x0] =	wrdreg $0x0  }
0xa8: {  	s4 =	sshll.u32 s28, $0x1;
	[dreg:$0x2] =	wrdreg s2  }
0xa9: {  	[dreg:$0x3] =	wrdreg s4  }
0xaa: {  	[dreg:$0x4] =	wrdreg $0xC0  }
0xab: {  	_ =	task [dreg:s6], $0x5FFFF  }
0xac: {  	[dreg:$0x1] =	wrdreg $0xFFFFFFFF  }
0xad: {  	[dreg:$0x0] =	wrdreg $0x60  }
0xae: {  	[dreg:$0x2] =	wrdreg s24  }
0xaf: {  	[dreg:$0x3] =	wrdreg $0xB8000  }
0xb0: {  	[dreg:$0x4] =	wrdreg $0x9  }
0xb1: {  	_ =	task.clear_ibuf [dreg:s6], $0x5FFFF;
	_ =	strace $0x90000049  }
0xb2: {  	s29 =	simm.s32 $0x9;
	_ =	strace $0x8000004B  }
0xb3: {  	_ =	swait.ge [sflag:s29], $0x1  }
0xb4: {  	[sflag:s29] =	ssyncadd.s32 $0xFFFFFFFF  }
0xb5: {  	_ =	strace $0x9000004B  }
0xb6: {  	_ =	sfence  }
0xb7: {  	s30 =	sld [smem:$0x0];
	_ =	sdelay $0x2  }
0xb8: {  	s31 =	sshll.u32 s1, $0xD;
	s1 =	sshrl.u32 s1, $0x2  }
0xb9: {  	s3 =	sand.u32 $0x4000, s31;
	s1 =	sadd.s32 s1, s30  }
0xba: {  	s0 =	sor.u32 s3, s0;
	s1 =	sshll.u32 s1, $0x11  }
0xbb: {  	s0 =	sor.u32 s1, s0  }
0xbc: {  	s0 =	sadd.s32 $0x8F2B, s0  }
0xbd: {  	[sflag:s0] =	ssyncadd.remote.s32 $0x1  }
0xbe: {  	_ =	sfence.sel $0xFFFF  }
0xbf: {  	[dreg:$0x0] =	wrdreg $0xFFFFFFFF;
	(pc) =	sbr.abs _section_cstart, $3  }
0xc0: {  	[dreg:$0x1] =	wrdreg $0xFFFFFFFF  }
0xc1: {  	_ =	task.clear_ibuf [dreg:s6], $0x2FFFF;
	_ =	strace $0x9FFFFFFF  }
0xc2: {  	(tm) =	ssettm $0x7FFFFFFF  }
0xc3: {  	_ =	shalt  }
tec
execute0_lowered:
.L_overlay_start_1:
0x0: {  	(tag) =	ssettag $0x1  }
0x1: {  	s11 =	stileid.u32  }
0x2: {  	s0 =	srdreg.scid;
	s1 =	rddreg [dreg:$0x0]  }
0x3: {  	s2 =	rddreg [dreg:$0x1];
	s3 =	simm.s32 $0x0;
	s15 =	simm.s32 $0x80  }
0x4: {  	s16 =	simm.s32 $0x100;
	s17 =	simm.s32 $0x180;
	[smem:$0x7FF] =	sst s3  }
0x5: {  	s18 =	simm.s32 $0x200;
	_ =	strace $0x8000004A;
	[dreg:$0x5] =	wrdreg s15  }
0x6: {  	s19 =	simm.s32 $0x280;
	s21 =	simm.s32 $0xC80;
	[dreg:$0x6] =	wrdreg s16  }
0x7: {  	s23 =	simm.s32 $0x300;
	s24 =	simm.s32 $0xD00;
	[dreg:$0x7] =	wrdreg s17  }
0x8: {  	s26 =	simm.s32 $0x380;
	s12 =	simm.s32 $0x480;
	[dreg:$0x8] =	wrdreg s18  }
0x9: {  	s13 =	simm.s32 $0xE80;
	s28 =	simm.s32 $0x1300;
	[dreg:$0x9] =	wrdreg s19  }
0xa: {  	s29 =	simm.s32 $0x980;
	s4 =	smul.u32 $0xC000, s11;
	[dreg:$0xa] =	wrdreg s21  }
0xb: {  	s30 =	simm.s32 $0x1380;
	s6 =	smul.u32 $0x14000, s11;
	[dreg:$0xb] =	wrdreg s23  }
0xc: {  	s0 =	sand.u32 $0x1, s0;
	s22 =	smul.u32 $0x50000, s11;
	[dreg:$0xc] =	wrdreg s24  }
0xd: {  	s31 =	simm.s32 $0x1400;
	s5 =	smul.u32 $0x6000, s0;
	[dreg:$0xd] =	wrdreg s26  }
0xe: {  	s8 =	sadd.s32 $0x90000, s1;
	s10 =	smul.u32 $0x140000, s0;
	[dreg:$0x11] =	wrdreg s12  }
0xf: {  	s0 =	ssub.s32 $0x2, s0;
	[dreg:$0x12] =	wrdreg s13;
	s15 =	simm.s32 $0xF00  }
0x10: {  	s16 =	simm.s32 $0x580;
	s17 =	simm.s32 $0xF80;
	s12 =	simm.s32 $0x40  }
0x11: {  	s18 =	simm.s32 $0x600;
	s13 =	simm.s32 $0x1800;
	[dreg:$0x14] =	wrdreg s15  }
0x12: {  	s19 =	simm.s32 $0x1000;
	s21 =	simm.s32 $0x1080;
	[dreg:$0x15] =	wrdreg s16  }
0x13: {  	s23 =	simm.s32 $0x1100;
	s24 =	simm.s32 $0x780;
	[dreg:$0x16] =	wrdreg s17  }
0x14: {  	s26 =	simm.s32 $0x800;
	s9 =	sshrl.u32 s6, $0x3;
	[dreg:$0x17] =	wrdreg s18  }
0x15: {  	s20 =	sshrl.u32 s0, $0x1;
	s25 =	sshrl.u32 s22, $0x2;
	[dreg:$0x18] =	wrdreg s19  }
0x16: {  	s15 =	simm.s32 $0x5800;
	s16 =	simm.s32 $0x7800;
	[dreg:$0x1a] =	wrdreg s21  }
0x17: {  	s22 =	simm.s32 $0x700;
	s17 =	simm.s32 $0x9800;
	[dreg:$0x1c] =	wrdreg s23  }
0x18: {  	s18 =	simm.s32 $0x1;
	s19 =	simm.s32 $0x2;
	[dreg:$0x1d] =	wrdreg s24  }
0x19: {  	s21 =	simm.s32 $0x4;
	[dreg:$0x1f] =	wrdreg s26;
	s23 =	simm.s32 $0x1200  }
0x1a: {  	s24 =	simm.s32 $0x880;
	s26 =	simm.s32 $0x900;
	s5 =	sadd.s32 s5, s4  }
0x1b: {  	s4 =	sadd.s32 $0xC0000, s1;
	s14 =	sadd.s32 s9, s1;
	s6 =	sadd.s32 s6, s10  }
0x1c: {  	s0 =	ssub.s32 s0, s20;
	s9 =	simm.s32 $0x400;
	s10 =	sshll.u32 s11, $0x6  }
0x1d: {  	s11 =	simm.s32 $0xE00;
	s20 =	simm.s32 $0x680;
	[dreg:$0x1b] =	wrdreg s22  }
0x1e: {  	s22 =	simm.s32 $0x5;
	s7 =	sadd.s32 $0xC0000, s5;
	[dreg:$0xf] =	wrdreg s9  }
0x1f: {  	s5 =	sshrl.u32 s5, $0x3;
	s6 =	sshrl.u32 s6, $0x3;
	[dreg:$0x10] =	wrdreg s11  }
0x20: {  	s0 =	smax.u32 s0, $0x1;
	[dreg:$0x19] =	wrdreg s20;
	s7 =	sshrl.u32 s7, $0x3  }
0x21: {  	s5 =	sadd.s32 s5, s8;
	s1 =	sadd.s32 s6, s1;
	[smem:$0x7FB] =	sst s0  }
0x22: {  	s6 =	sadd.s32 s25, s2;
	s25 =	simm.s32 $0x1180;
	[dreg:$0x4] =	wrdreg s5  }
0x23: {  	s11 =	simm.s32 $0xC00;
	s7 =	sadd.s32 s7, s8;
	[dreg:$0x1e] =	wrdreg s25  }
0x24: {  	s20 =	simm.s32 $0x3;
	s8 =	simm.s32 $0xD80;
	[dreg:$0x3] =	wrdreg s7  }
0x25: {  	s9 =	simm.s32 $0x0;
	s1 =	sadd.s32 $0xE8000, s1;
	[dreg:$0xe] =	wrdreg s8  }
0x26: {  	s0 =	simm.s32 $0x1500;
	s7 =	sadd.s32 $0x18000, s14;
	[smem:$0x7FA] =	sst s1  }
0x27: {  	s25 =	simm.s32 $0x1280;
	s14 =	simm.s32 $0x500;
	[smem:$0x7F9] =	sst s7  }
0x28: {  	s5 =	simm.s32 $0x1580;
	s8 =	sshrl.u32 s6, $0x3;
	[dreg:$0x13] =	wrdreg s14  }
0x29: {  	s1 =	simm.s32 $0x1480;
	s7 =	sor.u32 $0x1C06, s10;
	[smem:$0x7FD] =	sst s8  }
0x2a: {  	s10 =	simm.s32 $0x6;
	s14 =	simm.s32 $0x3800;
	[smem:$0x7FC] =	sst s7  }
.LBB2_1:
0x2b: {  	s6 =	sld [smem:$0x7F9];
	_ =	sdelay $0x1  }
0x2c: {  	[smem:$0x7F8] =	sst s9  }
0x2d: {  	[spmem:s8], [sflag:s7] =	dma.local [hbm:s6], $0x2800  }
0x2e: {  	_ =	swait.ge [sflag:s10], $0x2800  }
0x2f: {  	[sflag:s10] =	ssyncset.done $0x0  }
0x30: {  	[sflag:s10] =	ssyncadd.s32 $0xFFFFD800  }
0x31: {  	[bflag:$0x0] =	sbarrier.arrive $0xFFFF  }
0x32: {  	s7 =	rddreg [dreg:$0x4]  }
0x33: {  	s6 =	sadd.s32 $0x0, s7  }
0x34: {  	[tilespmem:s3], [sflag:$0x6] =	stream.linear.gather [hbm4b:s6+s3], $0xA00, $0x38;
	[tilespmem:$0x1F800] =	vst v63  }
0x35: {  	_ =	swait.ge [sflag:s10], $0xA00  }
0x36: {  	s8 =	rddreg [dreg:$0x3];
	[sflag:s10] =	ssyncset.done $0x0  }
0x37: {  	[sflag:s10] =	ssyncadd.s32 $0xFFFFF600;
	s6 =	sadd.s32 $0x0, s8  }
0x38: {  	[tilespmem:s11], [sflag:$0x6] =	stream.linear.gather [hbm4b:s6+s3], $0xA00, $0x38;
	[tilespmem:$0x1F800] =	vst v63  }
0x39: {  	_ =	swait.ge [sflag:s10], $0xA00  }
0x3a: {  	[sflag:s10] =	ssyncset.done $0x0  }
0x3b: {  	[sflag:s10] =	ssyncadd.s32 $0xFFFFF600  }
0x3c: {  	[tilespmem:s13], [sflag:$0x1] =	stream.indirect.gather [hbm4b:s4+s12], $0x80, s3, s12, $0xb8;
	[tilespmem:$0x1F800] =	vst v63  }
0x3d: {  	s9 =	rddreg [dreg:$0x5]  }
0x3e: {  	[tilespmem:s14], [sflag:$0x2] =	stream.indirect.gather [hbm4b:s4+s12], $0x80, s9, s12, $0xb8;
	[tilespmem:$0x1F800] =	vst v63  }
0x3f: {  	s7 =	rddreg [dreg:$0x6]  }
0x40: {  	[tilespmem:s15], [sflag:$0x3] =	stream.indirect.gather [hbm4b:s4+s12], $0x80, s7, s12, $0xb8;
	[tilespmem:$0x1F800] =	vst v63  }
0x41: {  	s9 =	rddreg [dreg:$0x7]  }
0x42: {  	[tilespmem:s16], [sflag:$0x4] =	stream.indirect.gather [hbm4b:s4+s12], $0x80, s9, s12, $0xb8;
	[tilespmem:$0x1F800] =	vst v63  }
0x43: {  	s7 =	rddreg [dreg:$0x8]  }
0x44: {  	[tilespmem:s17], [sflag:$0x5] =	stream.indirect.gather [hbm4b:s4+s12], $0x80, s7, s12, $0xb8;
	[tilespmem:$0x1F800] =	vst v63  }
0x45: {  	_ =	swait.ge [sflag:s18], $0x2000  }
0x46: {  	[sflag:s18] =	ssyncset.done $0x0  }
0x47: {  	[sflag:s18] =	ssyncadd.s32 $0xFFFFE000  }
0x48: {  	[spmem:s2] =	stream.indirect.scatter.add.f32 [tilespmem:s13], [sflag:$0x6], $0x80, s11, s12, $0xb8;
	[tilespmem:$0x1F800] =	vst v63  }
0x49: {  	_ =	swait.ge [sflag:s10], $0x2000  }
0x4a: {  	[sflag:s10] =	ssyncset.done $0x0  }
0x4b: {  	s8 =	rddreg [dreg:$0x9];
	[sflag:s10] =	ssyncadd.s32 $0xFFFFE000  }
0x4c: {  	[tilespmem:s13], [sflag:$0x1] =	stream.indirect.gather [hbm4b:s4+s12], $0x80, s8, s12, $0xb8;
	[tilespmem:$0x1F800] =	vst v63  }
0x4d: {  	_ =	swait.ge [sflag:s19], $0x2000  }
0x4e: {  	[sflag:s19] =	ssyncset.done $0x0  }
0x4f: {  	s9 =	rddreg [dreg:$0xa];
	[sflag:s19] =	ssyncadd.s32 $0xFFFFE000  }
0x50: {  	[spmem:s2] =	stream.indirect.scatter.add.f32 [tilespmem:s14], [sflag:$0x6], $0x80, s9, s12, $0xb8;
	[tilespmem:$0x1F800] =	vst v63  }
0x51: {  	_ =	swait.ge [sflag:s10], $0x2000  }
0x52: {  	[sflag:s10] =	ssyncset.done $0x0  }
0x53: {  	s7 =	rddreg [dreg:$0xb];
	[sflag:s10] =	ssyncadd.s32 $0xFFFFE000  }
0x54: {  	[tilespmem:s14], [sflag:$0x2] =	stream.indirect.gather [hbm4b:s4+s12], $0x80, s7, s12, $0xb8;
	[tilespmem:$0x1F800] =	vst v63  }
0x55: {  	_ =	swait.ge [sflag:s20], $0x2000  }
0x56: {  	[sflag:s20] =	ssyncset.done $0x0  }
0x57: {  	s8 =	rddreg [dreg:$0xc];
	[sflag:s20] =	ssyncadd.s32 $0xFFFFE000  }
0x58: {  	[spmem:s2] =	stream.indirect.scatter.add.f32 [tilespmem:s15], [sflag:$0x6], $0x80, s8, s12, $0xb8;
	[tilespmem:$0x1F800] =	vst v63  }
0x59: {  	_ =	swait.ge [sflag:s10], $0x2000  }
0x5a: {  	[sflag:s10] =	ssyncset.done $0x0  }
0x5b: {  	s9 =	rddreg [dreg:$0xd];
	[sflag:s10] =	ssyncadd.s32 $0xFFFFE000  }
0x5c: {  	[tilespmem:s15], [sflag:$0x3] =	stream.indirect.gather [hbm4b:s4+s12], $0x80, s9, s12, $0xb8;
	[tilespmem:$0x1F800] =	vst v63  }
0x5d: {  	_ =	swait.ge [sflag:s21], $0x2000  }
0x5e: {  	[sflag:s21] =	ssyncset.done $0x0  }
0x5f: {  	s7 =	rddreg [dreg:$0xe];
	[sflag:s21] =	ssyncadd.s32 $0xFFFFE000  }
0x60: {  	[spmem:s2] =	stream.indirect.scatter.add.f32 [tilespmem:s16], [sflag:$0x6], $0x80, s7, s12, $0xb8;
	[tilespmem:$0x1F800] =	vst v63  }
0x61: {  	_ =	swait.ge [sflag:s10], $0x2000  }
0x62: {  	[sflag:s10] =	ssyncset.done $0x0  }
0x63: {  	s8 =	rddreg [dreg:$0xf];
	[sflag:s10] =	ssyncadd.s32 $0xFFFFE000  }
0x64: {  	[tilespmem:s16], [sflag:$0x4] =	stream.indirect.gather [hbm4b:s4+s12], $0x80, s8, s12, $0xb8;
	[tilespmem:$0x1F800] =	vst v63  }
0x65: {  	_ =	swait.ge [sflag:s22], $0x2000  }
0x66: {  	[sflag:s22] =	ssyncset.done $0x0  }
0x67: {  	s9 =	rddreg [dreg:$0x10];
	[sflag:s22] =	ssyncadd.s32 $0xFFFFE000  }
0x68: {  	[spmem:s2] =	stream.indirect.scatter.add.f32 [tilespmem:s17], [sflag:$0x6], $0x80, s9, s12, $0xb8;
	[tilespmem:$0x1F800] =	vst v63  }
0x69: {  	_ =	swait.ge [sflag:s10], $0x2000  }
0x6a: {  	[sflag:s10] =	ssyncset.done $0x0  }
0x6b: {  	s7 =	rddreg [dreg:$0x11];
	[sflag:s10] =	ssyncadd.s32 $0xFFFFE000  }
0x6c: {  	[tilespmem:s17], [sflag:$0x5] =	stream.indirect.gather [hbm4b:s4+s12], $0x80, s7, s12, $0xb8;
	[tilespmem:$0x1F800] =	vst v63  }
0x6d: {  	_ =	swait.ge [sflag:s18], $0x2000  }
0x6e: {  	[sflag:s18] =	ssyncset.done $0x0  }
0x6f: {  	s8 =	rddreg [dreg:$0x12];
	[sflag:s18] =	ssyncadd.s32 $0xFFFFE000  }
0x70: {  	[spmem:s2] =	stream.indirect.scatter.add.f32 [tilespmem:s13], [sflag:$0x6], $0x80, s8, s12, $0xb8;
	[tilespmem:$0x1F800] =	vst v63  }
0x71: {  	_ =	swait.ge [sflag:s10], $0x2000  }
0x72: {  	[sflag:s10] =	ssyncset.done $0x0  }
0x73: {  	s9 =	rddreg [dreg:$0x13];
	[sflag:s10] =	ssyncadd.s32 $0xFFFFE000  }
0x74: {  	[tilespmem:s13], [sflag:$0x1] =	stream.indirect.gather [hbm4b:s4+s12], $0x80, s9, s12, $0xb8;
	[tilespmem:$0x1F800] =	vst v63  }
0x75: {  	_ =	swait.ge [sflag:s19], $0x2000  }
0x76: {  	[sflag:s19] =	ssyncset.done $0x0  }
0x77: {  	s7 =	rddreg [dreg:$0x14];
	[sflag:s19] =	ssyncadd.s32 $0xFFFFE000  }
0x78: {  	[spmem:s2] =	stream.indirect.scatter.add.f32 [tilespmem:s14], [sflag:$0x6], $0x80, s7, s12, $0xb8;
	[tilespmem:$0x1F800] =	vst v63  }
0x79: {  	_ =	swait.ge [sflag:s10], $0x2000  }
0x7a: {  	[sflag:s10] =	ssyncset.done $0x0  }
0x7b: {  	s8 =	rddreg [dreg:$0x15];
	[sflag:s10] =	ssyncadd.s32 $0xFFFFE000  }
0x7c: {  	[tilespmem:s14], [sflag:$0x2] =	stream.indirect.gather [hbm4b:s4+s12], $0x80, s8, s12, $0xb8;
	[tilespmem:$0x1F800] =	vst v63  }
0x7d: {  	_ =	swait.ge [sflag:s20], $0x2000  }
0x7e: {  	[sflag:s20] =	ssyncset.done $0x0  }
0x7f: {  	s9 =	rddreg [dreg:$0x16];
	[sflag:s20] =	ssyncadd.s32 $0xFFFFE000  }
0x80: {  	[spmem:s2] =	stream.indirect.scatter.add.f32 [tilespmem:s15], [sflag:$0x6], $0x80, s9, s12, $0xb8;
	[tilespmem:$0x1F800] =	vst v63  }
0x81: {  	_ =	swait.ge [sflag:s10], $0x2000  }
0x82: {  	[sflag:s10] =	ssyncset.done $0x0  }
0x83: {  	s7 =	rddreg [dreg:$0x17];
	[sflag:s10] =	ssyncadd.s32 $0xFFFFE000  }
0x84: {  	[tilespmem:s15], [sflag:$0x3] =	stream.indirect.gather [hbm4b:s4+s12], $0x80, s7, s12, $0xb8;
	[tilespmem:$0x1F800] =	vst v63  }
0x85: {  	_ =	swait.ge [sflag:s21], $0x2000  }
0x86: {  	[sflag:s21] =	ssyncset.done $0x0  }
0x87: {  	s8 =	rddreg [dreg:$0x18];
	[sflag:s21] =	ssyncadd.s32 $0xFFFFE000  }
0x88: {  	[spmem:s2] =	stream.indirect.scatter.add.f32 [tilespmem:s16], [sflag:$0x6], $0x80, s8, s12, $0xb8;
	[tilespmem:$0x1F800] =	vst v63  }
0x89: {  	_ =	swait.ge [sflag:s10], $0x2000  }
0x8a: {  	[sflag:s10] =	ssyncset.done $0x0  }
0x8b: {  	s9 =	rddreg [dreg:$0x19];
	[sflag:s10] =	ssyncadd.s32 $0xFFFFE000  }
0x8c: {  	[tilespmem:s16], [sflag:$0x4] =	stream.indirect.gather [hbm4b:s4+s12], $0x80, s9, s12, $0xb8;
	[tilespmem:$0x1F800] =	vst v63  }
0x8d: {  	_ =	swait.ge [sflag:s22], $0x2000  }
0x8e: {  	[sflag:s22] =	ssyncset.done $0x0  }
0x8f: {  	s7 =	rddreg [dreg:$0x1a];
	[sflag:s22] =	ssyncadd.s32 $0xFFFFE000  }
0x90: {  	[spmem:s2] =	stream.indirect.scatter.add.f32 [tilespmem:s17], [sflag:$0x6], $0x80, s7, s12, $0xb8;
	[tilespmem:$0x1F800] =	vst v63  }
0x91: {  	_ =	swait.ge [sflag:s10], $0x2000  }
0x92: {  	[sflag:s10] =	ssyncset.done $0x0  }
0x93: {  	s8 =	rddreg [dreg:$0x1b];
	[sflag:s10] =	ssyncadd.s32 $0xFFFFE000  }
0x94: {  	[tilespmem:s17], [sflag:$0x5] =	stream.indirect.gather [hbm4b:s4+s12], $0x80, s8, s12, $0xb8;
	[tilespmem:$0x1F800] =	vst v63  }
0x95: {  	_ =	swait.ge [sflag:s18], $0x2000  }
0x96: {  	[sflag:s18] =	ssyncset.done $0x0  }
0x97: {  	s9 =	rddreg [dreg:$0x1c];
	[sflag:s18] =	ssyncadd.s32 $0xFFFFE000  }
0x98: {  	[spmem:s2] =	stream.indirect.scatter.add.f32 [tilespmem:s13], [sflag:$0x6], $0x80, s9, s12, $0xb8;
	[tilespmem:$0x1F800] =	vst v63  }
0x99: {  	_ =	swait.ge [sflag:s10], $0x2000  }
0x9a: {  	[sflag:s10] =	ssyncset.done $0x0  }
0x9b: {  	s7 =	rddreg [dreg:$0x1d];
	[sflag:s10] =	ssyncadd.s32 $0xFFFFE000  }
0x9c: {  	[tilespmem:s13], [sflag:$0x1] =	stream.indirect.gather [hbm4b:s4+s12], $0x80, s7, s12, $0xb8;
	[tilespmem:$0x1F800] =	vst v63  }
0x9d: {  	_ =	swait.ge [sflag:s19], $0x2000  }
0x9e: {  	[sflag:s19] =	ssyncset.done $0x0  }
0x9f: {  	s8 =	rddreg [dreg:$0x1e];
	[sflag:s19] =	ssyncadd.s32 $0xFFFFE000  }
0xa0: {  	[spmem:s2] =	stream.indirect.scatter.add.f32 [tilespmem:s14], [sflag:$0x6], $0x80, s8, s12, $0xb8;
	[tilespmem:$0x1F800] =	vst v63  }
0xa1: {  	_ =	swait.ge [sflag:s10], $0x2000  }
0xa2: {  	[sflag:s10] =	ssyncset.done $0x0  }
0xa3: {  	s9 =	rddreg [dreg:$0x1f];
	[sflag:s10] =	ssyncadd.s32 $0xFFFFE000  }
0xa4: {  	[tilespmem:s14], [sflag:$0x2] =	stream.indirect.gather [hbm4b:s4+s12], $0x80, s9, s12, $0xb8;
	[tilespmem:$0x1F800] =	vst v63  }
0xa5: {  	_ =	swait.ge [sflag:s20], $0x2000  }
0xa6: {  	[sflag:s20] =	ssyncset.done $0x0  }
0xa7: {  	[sflag:s20] =	ssyncadd.s32 $0xFFFFE000  }
0xa8: {  	[spmem:s2] =	stream.indirect.scatter.add.f32 [tilespmem:s15], [sflag:$0x6], $0x80, s23, s12, $0xb8;
	[tilespmem:$0x1F800] =	vst v63  }
0xa9: {  	_ =	swait.ge [sflag:s10], $0x2000  }
0xaa: {  	[sflag:s10] =	ssyncset.done $0x0  }
0xab: {  	[sflag:s10] =	ssyncadd.s32 $0xFFFFE000  }
0xac: {  	[tilespmem:s15], [sflag:$0x3] =	stream.indirect.gather [hbm4b:s4+s12], $0x80, s24, s12, $0xb8;
	[tilespmem:$0x1F800] =	vst v63  }
0xad: {  	_ =	swait.ge [sflag:s21], $0x2000  }
0xae: {  	[sflag:s21] =	ssyncset.done $0x0  }
0xaf: {  	[sflag:s21] =	ssyncadd.s32 $0xFFFFE000  }
0xb0: {  	[spmem:s2] =	stream.indirect.scatter.add.f32 [tilespmem:s16], [sflag:$0x6], $0x80, s25, s12, $0xb8;
	[tilespmem:$0x1F800] =	vst v63  }
0xb1: {  	_ =	swait.ge [sflag:s10], $0x2000  }
0xb2: {  	[sflag:s10] =	ssyncset.done $0x0  }
0xb3: {  	[sflag:s10] =	ssyncadd.s32 $0xFFFFE000  }
0xb4: {  	[tilespmem:s16], [sflag:$0x4] =	stream.indirect.gather [hbm4b:s4+s12], $0x80, s26, s12, $0xb8;
	[tilespmem:$0x1F800] =	vst v63  }
0xb5: {  	_ =	swait.ge [sflag:s22], $0x2000  }
0xb6: {  	[sflag:s22] =	ssyncset.done $0x0  }
0xb7: {  	[sflag:s22] =	ssyncadd.s32 $0xFFFFE000  }
0xb8: {  	[spmem:s2] =	stream.indirect.scatter.add.f32 [tilespmem:s17], [sflag:$0x6], $0x80, s28, s12, $0xb8;
	[tilespmem:$0x1F800] =	vst v63  }
0xb9: {  	_ =	swait.ge [sflag:s10], $0x2000  }
0xba: {  	[sflag:s10] =	ssyncset.done $0x0  }
0xbb: {  	[sflag:s10] =	ssyncadd.s32 $0xFFFFE000  }
0xbc: {  	[tilespmem:s17], [sflag:$0x5] =	stream.indirect.gather [hbm4b:s4+s12], $0x80, s29, s12, $0xb8;
	[tilespmem:$0x1F800] =	vst v63  }
0xbd: {  	_ =	swait.ge [sflag:s18], $0x2000  }
0xbe: {  	[sflag:s18] =	ssyncset.done $0x0  }
0xbf: {  	[sflag:s18] =	ssyncadd.s32 $0xFFFFE000  }
0xc0: {  	[spmem:s2] =	stream.indirect.scatter.add.f32 [tilespmem:s13], [sflag:$0x6], $0x80, s30, s12, $0xb8;
	[tilespmem:$0x1F800] =	vst v63  }
0xc1: {  	_ =	swait.ge [sflag:s10], $0x2000  }
0xc2: {  	[sflag:s10] =	ssyncset.done $0x0  }
0xc3: {  	[sflag:s10] =	ssyncadd.s32 $0xFFFFE000  }
0xc4: {  	_ =	swait.ge [sflag:s19], $0x2000  }
0xc5: {  	[sflag:s19] =	ssyncset.done $0x0  }
0xc6: {  	[sflag:s19] =	ssyncadd.s32 $0xFFFFE000  }
0xc7: {  	[spmem:s2] =	stream.indirect.scatter.add.f32 [tilespmem:s14], [sflag:$0x6], $0x80, s31, s12, $0xb8;
	[tilespmem:$0x1F800] =	vst v63  }
0xc8: {  	_ =	swait.ge [sflag:s10], $0x2000  }
0xc9: {  	[sflag:s10] =	ssyncset.done $0x0  }
0xca: {  	[sflag:s10] =	ssyncadd.s32 $0xFFFFE000  }
0xcb: {  	_ =	swait.ge [sflag:s20], $0x2000  }
0xcc: {  	[sflag:s20] =	ssyncset.done $0x0  }
0xcd: {  	[sflag:s20] =	ssyncadd.s32 $0xFFFFE000  }
0xce: {  	[spmem:s2] =	stream.indirect.scatter.add.f32 [tilespmem:s15], [sflag:$0x6], $0x80, s1, s12, $0xb8;
	[tilespmem:$0x1F800] =	vst v63  }
0xcf: {  	_ =	swait.ge [sflag:s10], $0x2000  }
0xd0: {  	[sflag:s10] =	ssyncset.done $0x0  }
0xd1: {  	[sflag:s10] =	ssyncadd.s32 $0xFFFFE000  }
0xd2: {  	_ =	swait.ge [sflag:s21], $0x2000  }
0xd3: {  	[sflag:s21] =	ssyncset.done $0x0  }
0xd4: {  	[sflag:s21] =	ssyncadd.s32 $0xFFFFE000  }
0xd5: {  	[spmem:s2] =	stream.indirect.scatter.add.f32 [tilespmem:s16], [sflag:$0x6], $0x80, s0, s12, $0xb8;
	[tilespmem:$0x1F800] =	vst v63  }
0xd6: {  	_ =	swait.ge [sflag:s10], $0x2000  }
0xd7: {  	[sflag:s10] =	ssyncset.done $0x0  }
0xd8: {  	[sflag:s10] =	ssyncadd.s32 $0xFFFFE000  }
0xd9: {  	_ =	swait.ge [sflag:s22], $0x2000  }
0xda: {  	[sflag:s22] =	ssyncset.done $0x0  }
0xdb: {  	[sflag:s22] =	ssyncadd.s32 $0xFFFFE000  }
0xdc: {  	[spmem:s2] =	stream.indirect.scatter.add.f32 [tilespmem:s17], [sflag:$0x6], $0x80, s5, s12, $0xb8;
	[tilespmem:$0x1F800] =	vst v63  }
0xdd: {  	s6 =	simm.s32 $0x300;
	_ =	swait.ge [sflag:s10], $0x2000  }
0xde: {  	s8 =	simm.s32 $0x180;
	s9 =	rddreg [dreg:$0x4];
	[sflag:s10] =	ssyncset.done $0x0  }
.LBB2_2:
0xdf: {  	[sflag:s10] =	ssyncadd.s32 $0xFFFFE000;
	s9 =	sadd.s32 s8, s9  }
0xe0: {  	[tilespmem:s3], [sflag:$0x6] =	stream.linear.gather [hbm4b:s9+s3], $0xA00, $0x38;
	[tilespmem:$0x1F800] =	vst v63  }
0xe1: {  	_ =	swait.ge [sflag:s10], $0xA00  }
0xe2: {  	s9 =	rddreg [dreg:$0x3];
	[sflag:s10] =	ssyncset.done $0x0  }
0xe3: {  	[sflag:s10] =	ssyncadd.s32 $0xFFFFF600;
	s9 =	sadd.s32 s8, s9  }
0xe4: {  	[tilespmem:s11], [sflag:$0x6] =	stream.linear.gather [hbm4b:s9+s3], $0xA00, $0x38;
	[tilespmem:$0x1F800] =	vst v63  }
0xe5: {  	_ =	swait.ge [sflag:s10], $0xA00  }
0xe6: {  	[sflag:s10] =	ssyncset.done $0x0  }
0xe7: {  	s7 =	smov.u32 s6;
	[sflag:s10] =	ssyncadd.s32 $0xFFFFF600  }
0xe8: {  	[tilespmem:s13], [sflag:$0x1] =	stream.indirect.gather [hbm4b:s4+s12], $0x80, s3, s12, $0xb8;
	[tilespmem:$0x1F800] =	vst v63  }
0xe9: {  	s8 =	smov.u32 s7;
	s7 =	rddreg [dreg:$0x5]  }
0xea: {  	[tilespmem:s14], [sflag:$0x2] =	stream.indirect.gather [hbm4b:s4+s12], $0x80, s7, s12, $0xb8;
	[tilespmem:$0x1F800] =	vst v63  }
0xeb: {  	s9 =	rddreg [dreg:$0x6]  }
0xec: {  	[tilespmem:s15], [sflag:$0x3] =	stream.indirect.gather [hbm4b:s4+s12], $0x80, s9, s12, $0xb8;
	[tilespmem:$0x1F800] =	vst v63  }
0xed: {  	s7 =	rddreg [dreg:$0x7]  }
0xee: {  	[tilespmem:s16], [sflag:$0x4] =	stream.indirect.gather [hbm4b:s4+s12], $0x80, s7, s12, $0xb8;
	[tilespmem:$0x1F800] =	vst v63  }
0xef: {  	s9 =	rddreg [dreg:$0x8]  }
0xf0: {  	[tilespmem:s17], [sflag:$0x5] =	stream.indirect.gather [hbm4b:s4+s12], $0x80, s9, s12, $0xb8;
	[tilespmem:$0x1F800] =	vst v63  }
0xf1: {  	_ =	swait.ge [sflag:s18], $0x2000  }
0xf2: {  	[sflag:s18] =	ssyncset.done $0x0  }
0xf3: {  	[sflag:s18] =	ssyncadd.s32 $0xFFFFE000  }
0xf4: {  	[spmem:s2] =	stream.indirect.scatter.add.f32 [tilespmem:s13], [sflag:$0x6], $0x80, s11, s12, $0xb8;
	[tilespmem:$0x1F800] =	vst v63  }
0xf5: {  	_ =	swait.ge [sflag:s10], $0x2000  }
0xf6: {  	[sflag:s10] =	ssyncset.done $0x0  }
0xf7: {  	s9 =	rddreg [dreg:$0x9];
	[sflag:s10] =	ssyncadd.s32 $0xFFFFE000  }
0xf8: {  	[tilespmem:s13], [sflag:$0x1] =	stream.indirect.gather [hbm4b:s4+s12], $0x80, s9, s12, $0xb8;
	[tilespmem:$0x1F800] =	vst v63  }
0xf9: {  	_ =	swait.ge [sflag:s19], $0x2000  }
0xfa: {  	[sflag:s19] =	ssyncset.done $0x0  }
0xfb: {  	s9 =	rddreg [dreg:$0xa];
	[sflag:s19] =	ssyncadd.s32 $0xFFFFE000  }
0xfc: {  	[spmem:s2] =	stream.indirect.scatter.add.f32 [tilespmem:s14], [sflag:$0x6], $0x80, s9, s12, $0xb8;
	[tilespmem:$0x1F800] =	vst v63  }
0xfd: {  	_ =	swait.ge [sflag:s10], $0x2000  }
0xfe: {  	[sflag:s10] =	ssyncset.done $0x0  }
0xff: {  	s9 =	rddreg [dreg:$0xb];
	[sflag:s10] =	ssyncadd.s32 $0xFFFFE000  }
0x100: {  	[tilespmem:s14], [sflag:$0x2] =	stream.indirect.gather [hbm4b:s4+s12], $0x80, s9, s12, $0xb8;
	[tilespmem:$0x1F800] =	vst v63  }
0x101: {  	_ =	swait.ge [sflag:s20], $0x2000  }
0x102: {  	[sflag:s20] =	ssyncset.done $0x0  }
0x103: {  	s9 =	rddreg [dreg:$0xc];
	[sflag:s20] =	ssyncadd.s32 $0xFFFFE000  }
0x104: {  	[spmem:s2] =	stream.indirect.scatter.add.f32 [tilespmem:s15], [sflag:$0x6], $0x80, s9, s12, $0xb8;
	[tilespmem:$0x1F800] =	vst v63  }
0x105: {  	_ =	swait.ge [sflag:s10], $0x2000  }
0x106: {  	[sflag:s10] =	ssyncset.done $0x0  }
0x107: {  	s9 =	rddreg [dreg:$0xd];
	[sflag:s10] =	ssyncadd.s32 $0xFFFFE000  }
0x108: {  	[tilespmem:s15], [sflag:$0x3] =	stream.indirect.gather [hbm4b:s4+s12], $0x80, s9, s12, $0xb8;
	[tilespmem:$0x1F800] =	vst v63  }
0x109: {  	_ =	swait.ge [sflag:s21], $0x2000  }
0x10a: {  	[sflag:s21] =	ssyncset.done $0x0  }
0x10b: {  	s9 =	rddreg [dreg:$0xe];
	[sflag:s21] =	ssyncadd.s32 $0xFFFFE000  }
0x10c: {  	[spmem:s2] =	stream.indirect.scatter.add.f32 [tilespmem:s16], [sflag:$0x6], $0x80, s9, s12, $0xb8;
	[tilespmem:$0x1F800] =	vst v63  }
0x10d: {  	_ =	swait.ge [sflag:s10], $0x2000  }
0x10e: {  	[sflag:s10] =	ssyncset.done $0x0  }
0x10f: {  	s9 =	rddreg [dreg:$0xf];
	[sflag:s10] =	ssyncadd.s32 $0xFFFFE000  }
0x110: {  	[tilespmem:s16], [sflag:$0x4] =	stream.indirect.gather [hbm4b:s4+s12], $0x80, s9, s12, $0xb8;
	[tilespmem:$0x1F800] =	vst v63  }
0x111: {  	_ =	swait.ge [sflag:s22], $0x2000  }
0x112: {  	[sflag:s22] =	ssyncset.done $0x0  }
0x113: {  	s9 =	rddreg [dreg:$0x10];
	[sflag:s22] =	ssyncadd.s32 $0xFFFFE000  }
0x114: {  	[spmem:s2] =	stream.indirect.scatter.add.f32 [tilespmem:s17], [sflag:$0x6], $0x80, s9, s12, $0xb8;
	[tilespmem:$0x1F800] =	vst v63  }
0x115: {  	_ =	swait.ge [sflag:s10], $0x2000  }
0x116: {  	[sflag:s10] =	ssyncset.done $0x0  }
0x117: {  	s9 =	rddreg [dreg:$0x11];
	[sflag:s10] =	ssyncadd.s32 $0xFFFFE000  }
0x118: {  	[tilespmem:s17], [sflag:$0x5] =	stream.indirect.gather [hbm4b:s4+s12], $0x80, s9, s12, $0xb8;
	[tilespmem:$0x1F800] =	vst v63  }
0x119: {  	_ =	swait.ge [sflag:s18], $0x2000  }
0x11a: {  	[sflag:s18] =	ssyncset.done $0x0  }
0x11b: {  	s9 =	rddreg [dreg:$0x12];
	[sflag:s18] =	ssyncadd.s32 $0xFFFFE000  }
0x11c: {  	[spmem:s2] =	stream.indirect.scatter.add.f32 [tilespmem:s13], [sflag:$0x6], $0x80, s9, s12, $0xb8;
	[tilespmem:$0x1F800] =	vst v63  }
0x11d: {  	_ =	swait.ge [sflag:s10], $0x2000  }
0x11e: {  	[sflag:s10] =	ssyncset.done $0x0  }
0x11f: {  	s9 =	rddreg [dreg:$0x13];
	[sflag:s10] =	ssyncadd.s32 $0xFFFFE000  }
0x120: {  	[tilespmem:s13], [sflag:$0x1] =	stream.indirect.gather [hbm4b:s4+s12], $0x80, s9, s12, $0xb8;
	[tilespmem:$0x1F800] =	vst v63  }
0x121: {  	_ =	swait.ge [sflag:s19], $0x2000  }
0x122: {  	[sflag:s19] =	ssyncset.done $0x0  }
0x123: {  	s9 =	rddreg [dreg:$0x14];
	[sflag:s19] =	ssyncadd.s32 $0xFFFFE000  }
0x124: {  	[spmem:s2] =	stream.indirect.scatter.add.f32 [tilespmem:s14], [sflag:$0x6], $0x80, s9, s12, $0xb8;
	[tilespmem:$0x1F800] =	vst v63  }
0x125: {  	_ =	swait.ge [sflag:s10], $0x2000  }
0x126: {  	[sflag:s10] =	ssyncset.done $0x0  }
0x127: {  	s9 =	rddreg [dreg:$0x15];
	[sflag:s10] =	ssyncadd.s32 $0xFFFFE000  }
0x128: {  	[tilespmem:s14], [sflag:$0x2] =	stream.indirect.gather [hbm4b:s4+s12], $0x80, s9, s12, $0xb8;
	[tilespmem:$0x1F800] =	vst v63  }
0x129: {  	_ =	swait.ge [sflag:s20], $0x2000  }
0x12a: {  	[sflag:s20] =	ssyncset.done $0x0  }
0x12b: {  	s9 =	rddreg [dreg:$0x16];
	[sflag:s20] =	ssyncadd.s32 $0xFFFFE000  }
0x12c: {  	[spmem:s2] =	stream.indirect.scatter.add.f32 [tilespmem:s15], [sflag:$0x6], $0x80, s9, s12, $0xb8;
	[tilespmem:$0x1F800] =	vst v63  }
0x12d: {  	_ =	swait.ge [sflag:s10], $0x2000  }
0x12e: {  	[sflag:s10] =	ssyncset.done $0x0  }
0x12f: {  	s9 =	rddreg [dreg:$0x17];
	[sflag:s10] =	ssyncadd.s32 $0xFFFFE000  }
0x130: {  	[tilespmem:s15], [sflag:$0x3] =	stream.indirect.gather [hbm4b:s4+s12], $0x80, s9, s12, $0xb8;
	[tilespmem:$0x1F800] =	vst v63  }
0x131: {  	_ =	swait.ge [sflag:s21], $0x2000  }
0x132: {  	[sflag:s21] =	ssyncset.done $0x0  }
0x133: {  	s9 =	rddreg [dreg:$0x18];
	[sflag:s21] =	ssyncadd.s32 $0xFFFFE000  }
0x134: {  	[spmem:s2] =	stream.indirect.scatter.add.f32 [tilespmem:s16], [sflag:$0x6], $0x80, s9, s12, $0xb8;
	[tilespmem:$0x1F800] =	vst v63  }
0x135: {  	_ =	swait.ge [sflag:s10], $0x2000  }
0x136: {  	[sflag:s10] =	ssyncset.done $0x0  }
0x137: {  	s9 =	rddreg [dreg:$0x19];
	[sflag:s10] =	ssyncadd.s32 $0xFFFFE000  }
0x138: {  	[tilespmem:s16], [sflag:$0x4] =	stream.indirect.gather [hbm4b:s4+s12], $0x80, s9, s12, $0xb8;
	[tilespmem:$0x1F800] =	vst v63  }
0x139: {  	_ =	swait.ge [sflag:s22], $0x2000  }
0x13a: {  	[sflag:s22] =	ssyncset.done $0x0  }
0x13b: {  	s9 =	rddreg [dreg:$0x1a];
	[sflag:s22] =	ssyncadd.s32 $0xFFFFE000  }
0x13c: {  	[spmem:s2] =	stream.indirect.scatter.add.f32 [tilespmem:s17], [sflag:$0x6], $0x80, s9, s12, $0xb8;
	[tilespmem:$0x1F800] =	vst v63  }
0x13d: {  	_ =	swait.ge [sflag:s10], $0x2000  }
0x13e: {  	[sflag:s10] =	ssyncset.done $0x0  }
0x13f: {  	s9 =	rddreg [dreg:$0x1b];
	[sflag:s10] =	ssyncadd.s32 $0xFFFFE000  }
0x140: {  	[tilespmem:s17], [sflag:$0x5] =	stream.indirect.gather [hbm4b:s4+s12], $0x80, s9, s12, $0xb8;
	[tilespmem:$0x1F800] =	vst v63  }
0x141: {  	_ =	swait.ge [sflag:s18], $0x2000  }
0x142: {  	[sflag:s18] =	ssyncset.done $0x0  }
0x143: {  	s9 =	rddreg [dreg:$0x1c];
	[sflag:s18] =	ssyncadd.s32 $0xFFFFE000  }
0x144: {  	[spmem:s2] =	stream.indirect.scatter.add.f32 [tilespmem:s13], [sflag:$0x6], $0x80, s9, s12, $0xb8;
	[tilespmem:$0x1F800] =	vst v63  }
0x145: {  	_ =	swait.ge [sflag:s10], $0x2000  }
0x146: {  	[sflag:s10] =	ssyncset.done $0x0  }
0x147: {  	s9 =	rddreg [dreg:$0x1d];
	[sflag:s10] =	ssyncadd.s32 $0xFFFFE000  }
0x148: {  	[tilespmem:s13], [sflag:$0x1] =	stream.indirect.gather [hbm4b:s4+s12], $0x80, s9, s12, $0xb8;
	[tilespmem:$0x1F800] =	vst v63  }
0x149: {  	_ =	swait.ge [sflag:s19], $0x2000  }
0x14a: {  	[sflag:s19] =	ssyncset.done $0x0  }
0x14b: {  	s9 =	rddreg [dreg:$0x1e];
	[sflag:s19] =	ssyncadd.s32 $0xFFFFE000  }
0x14c: {  	[spmem:s2] =	stream.indirect.scatter.add.f32 [tilespmem:s14], [sflag:$0x6], $0x80, s9, s12, $0xb8;
	[tilespmem:$0x1F800] =	vst v63  }
0x14d: {  	_ =	swait.ge [sflag:s10], $0x2000  }
0x14e: {  	[sflag:s10] =	ssyncset.done $0x0  }
0x14f: {  	s9 =	rddreg [dreg:$0x1f];
	[sflag:s10] =	ssyncadd.s32 $0xFFFFE000  }
0x150: {  	[tilespmem:s14], [sflag:$0x2] =	stream.indirect.gather [hbm4b:s4+s12], $0x80, s9, s12, $0xb8;
	[tilespmem:$0x1F800] =	vst v63  }
0x151: {  	_ =	swait.ge [sflag:s20], $0x2000  }
0x152: {  	[sflag:s20] =	ssyncset.done $0x0  }
0x153: {  	[sflag:s20] =	ssyncadd.s32 $0xFFFFE000  }
0x154: {  	[spmem:s2] =	stream.indirect.scatter.add.f32 [tilespmem:s15], [sflag:$0x6], $0x80, s23, s12, $0xb8;
	[tilespmem:$0x1F800] =	vst v63  }
0x155: {  	_ =	swait.ge [sflag:s10], $0x2000  }
0x156: {  	[sflag:s10] =	ssyncset.done $0x0  }
0x157: {  	[sflag:s10] =	ssyncadd.s32 $0xFFFFE000  }
0x158: {  	[tilespmem:s15], [sflag:$0x3] =	stream.indirect.gather [hbm4b:s4+s12], $0x80, s24, s12, $0xb8;
	[tilespmem:$0x1F800] =	vst v63  }
0x159: {  	_ =	swait.ge [sflag:s21], $0x2000  }
0x15a: {  	[sflag:s21] =	ssyncset.done $0x0  }
0x15b: {  	[sflag:s21] =	ssyncadd.s32 $0xFFFFE000  }
0x15c: {  	[spmem:s2] =	stream.indirect.scatter.add.f32 [tilespmem:s16], [sflag:$0x6], $0x80, s25, s12, $0xb8;
	[tilespmem:$0x1F800] =	vst v63  }
0x15d: {  	_ =	swait.ge [sflag:s10], $0x2000  }
0x15e: {  	[sflag:s10] =	ssyncset.done $0x0  }
0x15f: {  	[sflag:s10] =	ssyncadd.s32 $0xFFFFE000  }
0x160: {  	[tilespmem:s16], [sflag:$0x4] =	stream.indirect.gather [hbm4b:s4+s12], $0x80, s26, s12, $0xb8;
	[tilespmem:$0x1F800] =	vst v63  }
0x161: {  	_ =	swait.ge [sflag:s22], $0x2000  }
0x162: {  	[sflag:s22] =	ssyncset.done $0x0  }
0x163: {  	[sflag:s22] =	ssyncadd.s32 $0xFFFFE000  }
0x164: {  	[spmem:s2] =	stream.indirect.scatter.add.f32 [tilespmem:s17], [sflag:$0x6], $0x80, s28, s12, $0xb8;
	[tilespmem:$0x1F800] =	vst v63  }
0x165: {  	_ =	swait.ge [sflag:s10], $0x2000  }
0x166: {  	[sflag:s10] =	ssyncset.done $0x0  }
0x167: {  	[sflag:s10] =	ssyncadd.s32 $0xFFFFE000  }
0x168: {  	[tilespmem:s17], [sflag:$0x5] =	stream.indirect.gather [hbm4b:s4+s12], $0x80, s29, s12, $0xb8;
	[tilespmem:$0x1F800] =	vst v63  }
0x169: {  	_ =	swait.ge [sflag:s18], $0x2000  }
0x16a: {  	[sflag:s18] =	ssyncset.done $0x0  }
0x16b: {  	[sflag:s18] =	ssyncadd.s32 $0xFFFFE000  }
0x16c: {  	[spmem:s2] =	stream.indirect.scatter.add.f32 [tilespmem:s13], [sflag:$0x6], $0x80, s30, s12, $0xb8;
	[tilespmem:$0x1F800] =	vst v63  }
0x16d: {  	_ =	swait.ge [sflag:s10], $0x2000  }
0x16e: {  	[sflag:s10] =	ssyncset.done $0x0  }
0x16f: {  	[sflag:s10] =	ssyncadd.s32 $0xFFFFE000  }
0x170: {  	_ =	swait.ge [sflag:s19], $0x2000  }
0x171: {  	[sflag:s19] =	ssyncset.done $0x0  }
0x172: {  	[sflag:s19] =	ssyncadd.s32 $0xFFFFE000  }
0x173: {  	[spmem:s2] =	stream.indirect.scatter.add.f32 [tilespmem:s14], [sflag:$0x6], $0x80, s31, s12, $0xb8;
	[tilespmem:$0x1F800] =	vst v63  }
0x174: {  	_ =	swait.ge [sflag:s10], $0x2000  }
0x175: {  	[sflag:s10] =	ssyncset.done $0x0  }
0x176: {  	[sflag:s10] =	ssyncadd.s32 $0xFFFFE000  }
0x177: {  	_ =	swait.ge [sflag:s20], $0x2000  }
0x178: {  	[sflag:s20] =	ssyncset.done $0x0  }
0x179: {  	[sflag:s20] =	ssyncadd.s32 $0xFFFFE000  }
0x17a: {  	[spmem:s2] =	stream.indirect.scatter.add.f32 [tilespmem:s15], [sflag:$0x6], $0x80, s1, s12, $0xb8;
	[tilespmem:$0x1F800] =	vst v63  }
0x17b: {  	_ =	swait.ge [sflag:s10], $0x2000  }
0x17c: {  	[sflag:s10] =	ssyncset.done $0x0  }
0x17d: {  	[sflag:s10] =	ssyncadd.s32 $0xFFFFE000  }
0x17e: {  	_ =	swait.ge [sflag:s21], $0x2000  }
0x17f: {  	[sflag:s21] =	ssyncset.done $0x0  }
0x180: {  	[sflag:s21] =	ssyncadd.s32 $0xFFFFE000  }
0x181: {  	[spmem:s2] =	stream.indirect.scatter.add.f32 [tilespmem:s16], [sflag:$0x6], $0x80, s0, s12, $0xb8;
	[tilespmem:$0x1F800] =	vst v63  }
0x182: {  	_ =	swait.ge [sflag:s10], $0x2000  }
0x183: {  	[sflag:s10] =	ssyncset.done $0x0  }
0x184: {  	[sflag:s10] =	ssyncadd.s32 $0xFFFFE000  }
0x185: {  	p0 =	sne.s32 s6, $0xA80;
	_ =	swait.ge [sflag:s22], $0x2000  }
.Ltmp0:
0x186: {  	[sflag:s22] =	ssyncset.done $0x0;
	(pc) =	sbr.rel @p0 .LBB2_2-.Ltmp0, $4  }
0x187: {  	[sflag:s22] =	ssyncadd.s32 $0xFFFFE000  }
0x188: {  	[spmem:s2] =	stream.indirect.scatter.add.f32 [tilespmem:s17], [sflag:$0x6], $0x80, s5, s12, $0xb8;
	[tilespmem:$0x1F800] =	vst v63  }
0x189: {  	_ =	swait.ge [sflag:s10], $0x2000  }
0x18a: {  	s6 =	sadd.s32 $0x180, s6;
	s9 =	rddreg [dreg:$0x4];
	[sflag:s10] =	ssyncset.done $0x0  }
0x18b: {  	[sflag:s10] =	ssyncadd.s32 $0xFFFFE000;
	s6 =	sadd.s32 s8, s9  }
0x18c: {  	[tilespmem:s3], [sflag:$0x6] =	stream.linear.gather [hbm4b:s6+s3], $0xA00, $0x38;
	[tilespmem:$0x1F800] =	vst v63  }
0x18d: {  	_ =	swait.ge [sflag:s10], $0xA00  }
0x18e: {  	s7 =	rddreg [dreg:$0x3];
	[sflag:s10] =	ssyncset.done $0x0  }
0x18f: {  	[sflag:s10] =	ssyncadd.s32 $0xFFFFF600;
	s6 =	sadd.s32 s8, s7  }
0x190: {  	[tilespmem:s11], [sflag:$0x6] =	stream.linear.gather [hbm4b:s6+s3], $0xA00, $0x38;
	[tilespmem:$0x1F800] =	vst v63  }
0x191: {  	_ =	swait.ge [sflag:s10], $0xA00  }
0x192: {  	[sflag:s10] =	ssyncset.done $0x0  }
0x193: {  	[sflag:s10] =	ssyncadd.s32 $0xFFFFF600  }
0x194: {  	[tilespmem:s13], [sflag:$0x1] =	stream.indirect.gather [hbm4b:s4+s12], $0x80, s3, s12, $0xb8;
	[tilespmem:$0x1F800] =	vst v63  }
0x195: {  	s9 =	rddreg [dreg:$0x5]  }
0x196: {  	[tilespmem:s14], [sflag:$0x2] =	stream.indirect.gather [hbm4b:s4+s12], $0x80, s9, s12, $0xb8;
	[tilespmem:$0x1F800] =	vst v63  }
0x197: {  	s7 =	rddreg [dreg:$0x6]  }
0x198: {  	[tilespmem:s15], [sflag:$0x3] =	stream.indirect.gather [hbm4b:s4+s12], $0x80, s7, s12, $0xb8;
	[tilespmem:$0x1F800] =	vst v63  }
0x199: {  	s8 =	rddreg [dreg:$0x7]  }
0x19a: {  	[tilespmem:s16], [sflag:$0x4] =	stream.indirect.gather [hbm4b:s4+s12], $0x80, s8, s12, $0xb8;
	[tilespmem:$0x1F800] =	vst v63  }
0x19b: {  	s9 =	rddreg [dreg:$0x8]  }
0x19c: {  	[tilespmem:s17], [sflag:$0x5] =	stream.indirect.gather [hbm4b:s4+s12], $0x80, s9, s12, $0xb8;
	[tilespmem:$0x1F800] =	vst v63  }
0x19d: {  	_ =	swait.ge [sflag:s18], $0x2000  }
0x19e: {  	[sflag:s18] =	ssyncset.done $0x0  }
0x19f: {  	[sflag:s18] =	ssyncadd.s32 $0xFFFFE000  }
0x1a0: {  	[spmem:s2] =	stream.indirect.scatter.add.f32 [tilespmem:s13], [sflag:$0x6], $0x80, s11, s12, $0xb8;
	[tilespmem:$0x1F800] =	vst v63  }
0x1a1: {  	_ =	swait.ge [sflag:s10], $0x2000  }
0x1a2: {  	[sflag:s10] =	ssyncset.done $0x0  }
0x1a3: {  	s7 =	rddreg [dreg:$0x9];
	[sflag:s10] =	ssyncadd.s32 $0xFFFFE000  }
0x1a4: {  	[tilespmem:s13], [sflag:$0x1] =	stream.indirect.gather [hbm4b:s4+s12], $0x80, s7, s12, $0xb8;
	[tilespmem:$0x1F800] =	vst v63  }
0x1a5: {  	_ =	swait.ge [sflag:s19], $0x2000  }
0x1a6: {  	[sflag:s19] =	ssyncset.done $0x0  }
0x1a7: {  	s8 =	rddreg [dreg:$0xa];
	[sflag:s19] =	ssyncadd.s32 $0xFFFFE000  }
0x1a8: {  	[spmem:s2] =	stream.indirect.scatter.add.f32 [tilespmem:s14], [sflag:$0x6], $0x80, s8, s12, $0xb8;
	[tilespmem:$0x1F800] =	vst v63  }
0x1a9: {  	_ =	swait.ge [sflag:s10], $0x2000  }
0x1aa: {  	[sflag:s10] =	ssyncset.done $0x0  }
0x1ab: {  	s9 =	rddreg [dreg:$0xb];
	[sflag:s10] =	ssyncadd.s32 $0xFFFFE000  }
0x1ac: {  	[tilespmem:s14], [sflag:$0x2] =	stream.indirect.gather [hbm4b:s4+s12], $0x80, s9, s12, $0xb8;
	[tilespmem:$0x1F800] =	vst v63  }
0x1ad: {  	_ =	swait.ge [sflag:s20], $0x2000  }
0x1ae: {  	[sflag:s20] =	ssyncset.done $0x0  }
0x1af: {  	s7 =	rddreg [dreg:$0xc];
	[sflag:s20] =	ssyncadd.s32 $0xFFFFE000  }
0x1b0: {  	[spmem:s2] =	stream.indirect.scatter.add.f32 [tilespmem:s15], [sflag:$0x6], $0x80, s7, s12, $0xb8;
	[tilespmem:$0x1F800] =	vst v63  }
0x1b1: {  	_ =	swait.ge [sflag:s10], $0x2000  }
0x1b2: {  	[sflag:s10] =	ssyncset.done $0x0  }
0x1b3: {  	s8 =	rddreg [dreg:$0xd];
	[sflag:s10] =	ssyncadd.s32 $0xFFFFE000  }
0x1b4: {  	[tilespmem:s15], [sflag:$0x3] =	stream.indirect.gather [hbm4b:s4+s12], $0x80, s8, s12, $0xb8;
	[tilespmem:$0x1F800] =	vst v63  }
0x1b5: {  	_ =	swait.ge [sflag:s21], $0x2000  }
0x1b6: {  	[sflag:s21] =	ssyncset.done $0x0  }
0x1b7: {  	s9 =	rddreg [dreg:$0xe];
	[sflag:s21] =	ssyncadd.s32 $0xFFFFE000  }
0x1b8: {  	[spmem:s2] =	stream.indirect.scatter.add.f32 [tilespmem:s16], [sflag:$0x6], $0x80, s9, s12, $0xb8;
	[tilespmem:$0x1F800] =	vst v63  }
0x1b9: {  	_ =	swait.ge [sflag:s10], $0x2000  }
0x1ba: {  	[sflag:s10] =	ssyncset.done $0x0  }
0x1bb: {  	s7 =	rddreg [dreg:$0xf];
	[sflag:s10] =	ssyncadd.s32 $0xFFFFE000  }
0x1bc: {  	[tilespmem:s16], [sflag:$0x4] =	stream.indirect.gather [hbm4b:s4+s12], $0x80, s7, s12, $0xb8;
	[tilespmem:$0x1F800] =	vst v63  }
0x1bd: {  	_ =	swait.ge [sflag:s22], $0x2000  }
0x1be: {  	[sflag:s22] =	ssyncset.done $0x0  }
0x1bf: {  	s8 =	rddreg [dreg:$0x10];
	[sflag:s22] =	ssyncadd.s32 $0xFFFFE000  }
0x1c0: {  	[spmem:s2] =	stream.indirect.scatter.add.f32 [tilespmem:s17], [sflag:$0x6], $0x80, s8, s12, $0xb8;
	[tilespmem:$0x1F800] =	vst v63  }
0x1c1: {  	_ =	swait.ge [sflag:s10], $0x2000  }
0x1c2: {  	[sflag:s10] =	ssyncset.done $0x0  }
0x1c3: {  	s9 =	rddreg [dreg:$0x11];
	[sflag:s10] =	ssyncadd.s32 $0xFFFFE000  }
0x1c4: {  	[tilespmem:s17], [sflag:$0x5] =	stream.indirect.gather [hbm4b:s4+s12], $0x80, s9, s12, $0xb8;
	[tilespmem:$0x1F800] =	vst v63  }
0x1c5: {  	_ =	swait.ge [sflag:s18], $0x2000  }
0x1c6: {  	[sflag:s18] =	ssyncset.done $0x0  }
0x1c7: {  	s7 =	rddreg [dreg:$0x12];
	[sflag:s18] =	ssyncadd.s32 $0xFFFFE000  }
0x1c8: {  	[spmem:s2] =	stream.indirect.scatter.add.f32 [tilespmem:s13], [sflag:$0x6], $0x80, s7, s12, $0xb8;
	[tilespmem:$0x1F800] =	vst v63  }
0x1c9: {  	_ =	swait.ge [sflag:s10], $0x2000  }
0x1ca: {  	[sflag:s10] =	ssyncset.done $0x0  }
0x1cb: {  	s8 =	rddreg [dreg:$0x13];
	[sflag:s10] =	ssyncadd.s32 $0xFFFFE000  }
0x1cc: {  	[tilespmem:s13], [sflag:$0x1] =	stream.indirect.gather [hbm4b:s4+s12], $0x80, s8, s12, $0xb8;
	[tilespmem:$0x1F800] =	vst v63  }
0x1cd: {  	_ =	swait.ge [sflag:s19], $0x2000  }
0x1ce: {  	[sflag:s19] =	ssyncset.done $0x0  }
0x1cf: {  	s9 =	rddreg [dreg:$0x14];
	[sflag:s19] =	ssyncadd.s32 $0xFFFFE000  }
0x1d0: {  	[spmem:s2] =	stream.indirect.scatter.add.f32 [tilespmem:s14], [sflag:$0x6], $0x80, s9, s12, $0xb8;
	[tilespmem:$0x1F800] =	vst v63  }
0x1d1: {  	_ =	swait.ge [sflag:s10], $0x2000  }
0x1d2: {  	[sflag:s10] =	ssyncset.done $0x0  }
0x1d3: {  	s7 =	rddreg [dreg:$0x15];
	[sflag:s10] =	ssyncadd.s32 $0xFFFFE000  }
0x1d4: {  	[tilespmem:s14], [sflag:$0x2] =	stream.indirect.gather [hbm4b:s4+s12], $0x80, s7, s12, $0xb8;
	[tilespmem:$0x1F800] =	vst v63  }
0x1d5: {  	_ =	swait.ge [sflag:s20], $0x2000  }
0x1d6: {  	[sflag:s20] =	ssyncset.done $0x0  }
0x1d7: {  	s8 =	rddreg [dreg:$0x16];
	[sflag:s20] =	ssyncadd.s32 $0xFFFFE000  }
0x1d8: {  	[spmem:s2] =	stream.indirect.scatter.add.f32 [tilespmem:s15], [sflag:$0x6], $0x80, s8, s12, $0xb8;
	[tilespmem:$0x1F800] =	vst v63  }
0x1d9: {  	_ =	swait.ge [sflag:s10], $0x2000  }
0x1da: {  	[sflag:s10] =	ssyncset.done $0x0  }
0x1db: {  	s9 =	rddreg [dreg:$0x17];
	[sflag:s10] =	ssyncadd.s32 $0xFFFFE000  }
0x1dc: {  	[tilespmem:s15], [sflag:$0x3] =	stream.indirect.gather [hbm4b:s4+s12], $0x80, s9, s12, $0xb8;
	[tilespmem:$0x1F800] =	vst v63  }
0x1dd: {  	_ =	swait.ge [sflag:s21], $0x2000  }
0x1de: {  	[sflag:s21] =	ssyncset.done $0x0  }
0x1df: {  	s7 =	rddreg [dreg:$0x18];
	[sflag:s21] =	ssyncadd.s32 $0xFFFFE000  }
0x1e0: {  	[spmem:s2] =	stream.indirect.scatter.add.f32 [tilespmem:s16], [sflag:$0x6], $0x80, s7, s12, $0xb8;
	[tilespmem:$0x1F800] =	vst v63  }
0x1e1: {  	_ =	swait.ge [sflag:s10], $0x2000  }
0x1e2: {  	[sflag:s10] =	ssyncset.done $0x0  }
0x1e3: {  	s8 =	rddreg [dreg:$0x19];
	[sflag:s10] =	ssyncadd.s32 $0xFFFFE000  }
0x1e4: {  	[tilespmem:s16], [sflag:$0x4] =	stream.indirect.gather [hbm4b:s4+s12], $0x80, s8, s12, $0xb8;
	[tilespmem:$0x1F800] =	vst v63  }
0x1e5: {  	_ =	swait.ge [sflag:s22], $0x2000  }
0x1e6: {  	[sflag:s22] =	ssyncset.done $0x0  }
0x1e7: {  	s9 =	rddreg [dreg:$0x1a];
	[sflag:s22] =	ssyncadd.s32 $0xFFFFE000  }
0x1e8: {  	[spmem:s2] =	stream.indirect.scatter.add.f32 [tilespmem:s17], [sflag:$0x6], $0x80, s9, s12, $0xb8;
	[tilespmem:$0x1F800] =	vst v63  }
0x1e9: {  	_ =	swait.ge [sflag:s10], $0x2000  }
0x1ea: {  	[sflag:s10] =	ssyncset.done $0x0  }
0x1eb: {  	s7 =	rddreg [dreg:$0x1b];
	[sflag:s10] =	ssyncadd.s32 $0xFFFFE000  }
0x1ec: {  	[tilespmem:s17], [sflag:$0x5] =	stream.indirect.gather [hbm4b:s4+s12], $0x80, s7, s12, $0xb8;
	[tilespmem:$0x1F800] =	vst v63  }
0x1ed: {  	_ =	swait.ge [sflag:s18], $0x2000  }
0x1ee: {  	[sflag:s18] =	ssyncset.done $0x0  }
0x1ef: {  	s8 =	rddreg [dreg:$0x1c];
	[sflag:s18] =	ssyncadd.s32 $0xFFFFE000  }
0x1f0: {  	[spmem:s2] =	stream.indirect.scatter.add.f32 [tilespmem:s13], [sflag:$0x6], $0x80, s8, s12, $0xb8;
	[tilespmem:$0x1F800] =	vst v63  }
0x1f1: {  	_ =	swait.ge [sflag:s10], $0x2000  }
0x1f2: {  	[sflag:s10] =	ssyncset.done $0x0  }
0x1f3: {  	s9 =	rddreg [dreg:$0x1d];
	[sflag:s10] =	ssyncadd.s32 $0xFFFFE000  }
0x1f4: {  	[tilespmem:s13], [sflag:$0x1] =	stream.indirect.gather [hbm4b:s4+s12], $0x80, s9, s12, $0xb8;
	[tilespmem:$0x1F800] =	vst v63  }
0x1f5: {  	_ =	swait.ge [sflag:s19], $0x2000  }
0x1f6: {  	[sflag:s19] =	ssyncset.done $0x0  }
0x1f7: {  	s7 =	rddreg [dreg:$0x1e];
	[sflag:s19] =	ssyncadd.s32 $0xFFFFE000  }
0x1f8: {  	[spmem:s2] =	stream.indirect.scatter.add.f32 [tilespmem:s14], [sflag:$0x6], $0x80, s7, s12, $0xb8;
	[tilespmem:$0x1F800] =	vst v63  }
0x1f9: {  	_ =	swait.ge [sflag:s10], $0x2000  }
0x1fa: {  	[sflag:s10] =	ssyncset.done $0x0  }
0x1fb: {  	s8 =	rddreg [dreg:$0x1f];
	[sflag:s10] =	ssyncadd.s32 $0xFFFFE000  }
0x1fc: {  	[tilespmem:s14], [sflag:$0x2] =	stream.indirect.gather [hbm4b:s4+s12], $0x80, s8, s12, $0xb8;
	[tilespmem:$0x1F800] =	vst v63  }
0x1fd: {  	_ =	swait.ge [sflag:s20], $0x2000  }
0x1fe: {  	[sflag:s20] =	ssyncset.done $0x0  }
0x1ff: {  	[sflag:s20] =	ssyncadd.s32 $0xFFFFE000  }
0x200: {  	[spmem:s2] =	stream.indirect.scatter.add.f32 [tilespmem:s15], [sflag:$0x6], $0x80, s23, s12, $0xb8;
	[tilespmem:$0x1F800] =	vst v63  }
0x201: {  	_ =	swait.ge [sflag:s10], $0x2000  }
0x202: {  	[sflag:s10] =	ssyncset.done $0x0  }
0x203: {  	[sflag:s10] =	ssyncadd.s32 $0xFFFFE000  }
0x204: {  	[tilespmem:s15], [sflag:$0x3] =	stream.indirect.gather [hbm4b:s4+s12], $0x80, s24, s12, $0xb8;
	[tilespmem:$0x1F800] =	vst v63  }
0x205: {  	_ =	swait.ge [sflag:s21], $0x2000  }
0x206: {  	[sflag:s21] =	ssyncset.done $0x0  }
0x207: {  	[sflag:s21] =	ssyncadd.s32 $0xFFFFE000  }
0x208: {  	[spmem:s2] =	stream.indirect.scatter.add.f32 [tilespmem:s16], [sflag:$0x6], $0x80, s25, s12, $0xb8;
	[tilespmem:$0x1F800] =	vst v63  }
0x209: {  	_ =	swait.ge [sflag:s10], $0x2000  }
0x20a: {  	[sflag:s10] =	ssyncset.done $0x0  }
0x20b: {  	[sflag:s10] =	ssyncadd.s32 $0xFFFFE000  }
0x20c: {  	[tilespmem:s16], [sflag:$0x4] =	stream.indirect.gather [hbm4b:s4+s12], $0x80, s26, s12, $0xb8;
	[tilespmem:$0x1F800] =	vst v63  }
0x20d: {  	_ =	swait.ge [sflag:s22], $0x2000  }
0x20e: {  	[sflag:s22] =	ssyncset.done $0x0  }
0x20f: {  	[sflag:s22] =	ssyncadd.s32 $0xFFFFE000  }
0x210: {  	[spmem:s2] =	stream.indirect.scatter.add.f32 [tilespmem:s17], [sflag:$0x6], $0x80, s28, s12, $0xb8;
	[tilespmem:$0x1F800] =	vst v63  }
0x211: {  	_ =	swait.ge [sflag:s10], $0x2000  }
0x212: {  	[sflag:s10] =	ssyncset.done $0x0  }
0x213: {  	[sflag:s10] =	ssyncadd.s32 $0xFFFFE000  }
0x214: {  	[tilespmem:s17], [sflag:$0x5] =	stream.indirect.gather [hbm4b:s4+s12], $0x80, s29, s12, $0xb8;
	[tilespmem:$0x1F800] =	vst v63  }
0x215: {  	_ =	swait.ge [sflag:s18], $0x2000  }
0x216: {  	[sflag:s18] =	ssyncset.done $0x0  }
0x217: {  	[sflag:s18] =	ssyncadd.s32 $0xFFFFE000  }
0x218: {  	[spmem:s2] =	stream.indirect.scatter.add.f32 [tilespmem:s13], [sflag:$0x6], $0x80, s30, s12, $0xb8;
	[tilespmem:$0x1F800] =	vst v63  }
0x219: {  	_ =	swait.ge [sflag:s10], $0x2000  }
0x21a: {  	[sflag:s10] =	ssyncset.done $0x0  }
0x21b: {  	[sflag:s10] =	ssyncadd.s32 $0xFFFFE000  }
0x21c: {  	_ =	swait.ge [sflag:s19], $0x2000  }
0x21d: {  	[sflag:s19] =	ssyncset.done $0x0  }
0x21e: {  	[sflag:s19] =	ssyncadd.s32 $0xFFFFE000  }
0x21f: {  	[spmem:s2] =	stream.indirect.scatter.add.f32 [tilespmem:s14], [sflag:$0x6], $0x80, s31, s12, $0xb8;
	[tilespmem:$0x1F800] =	vst v63  }
0x220: {  	_ =	swait.ge [sflag:s10], $0x2000  }
0x221: {  	[sflag:s10] =	ssyncset.done $0x0  }
0x222: {  	[sflag:s10] =	ssyncadd.s32 $0xFFFFE000  }
0x223: {  	_ =	swait.ge [sflag:s20], $0x2000  }
0x224: {  	[sflag:s20] =	ssyncset.done $0x0  }
0x225: {  	[sflag:s20] =	ssyncadd.s32 $0xFFFFE000  }
0x226: {  	[spmem:s2] =	stream.indirect.scatter.add.f32 [tilespmem:s15], [sflag:$0x6], $0x80, s1, s12, $0xb8;
	[tilespmem:$0x1F800] =	vst v63  }
0x227: {  	_ =	swait.ge [sflag:s10], $0x2000  }
0x228: {  	[sflag:s10] =	ssyncset.done $0x0  }
0x229: {  	[sflag:s10] =	ssyncadd.s32 $0xFFFFE000  }
0x22a: {  	_ =	swait.ge [sflag:s21], $0x2000  }
0x22b: {  	[sflag:s21] =	ssyncset.done $0x0  }
0x22c: {  	[sflag:s21] =	ssyncadd.s32 $0xFFFFE000  }
0x22d: {  	[spmem:s2] =	stream.indirect.scatter.add.f32 [tilespmem:s16], [sflag:$0x6], $0x80, s0, s12, $0xb8;
	[tilespmem:$0x1F800] =	vst v63  }
0x22e: {  	_ =	swait.ge [sflag:s10], $0x2000  }
0x22f: {  	[sflag:s10] =	ssyncset.done $0x0  }
0x230: {  	[sflag:s10] =	ssyncadd.s32 $0xFFFFE000  }
0x231: {  	_ =	swait.ge [sflag:s22], $0x2000  }
0x232: {  	[sflag:s22] =	ssyncset.done $0x0  }
0x233: {  	[sflag:s22] =	ssyncadd.s32 $0xFFFFE000  }
0x234: {  	[spmem:s2] =	stream.indirect.scatter.add.f32 [tilespmem:s17], [sflag:$0x6], $0x80, s5, s12, $0xb8;
	[tilespmem:$0x1F800] =	vst v63  }
0x235: {  	_ =	swait.ge [sflag:s10], $0x2000  }
0x236: {  	[sflag:s10] =	ssyncset.done $0x0  }
0x237: {  	[sflag:s10] =	ssyncadd.s32 $0xFFFFE000  }
0x238: {  	[bflag:$0x0] =	sbarrier.arrive $0xFFFF  }
0x239: {  	s7 =	sld [smem:$0x7FC]  }
0x23a: {  	s9 =	sld [smem:$0x7FA]  }
0x23b: {  	s8 =	sld [smem:$0x7FD];
	_ =	sdelay $0x2  }
0x23c: {  	[hbm:s9], [sflag:s7] =	dma.local [spmem:s8], $0x2800  }
0x23d: {  	_ =	swait.ge [sflag:s10], $0x2800  }
0x23e: {  	s6 =	sld [smem:$0x7F8];
	_ =	sdelay $0x2  }
0x23f: {  	s9 =	sadd.s32 $0x1, s6;
	s6 =	sld [smem:$0x7FB];
	_ =	sdelay $0x2  }
0x240: {  	p0 =	sne.s32 s9, s6  }
.Ltmp1:
0x241: {  	_ = 	snop;
	(pc) =	sbr.rel @p0 .LBB2_1-.Ltmp1, $3  }
0x242: {  	_ =	sdelay $0x1  }
0x243: {  	[sflag:s10] =	ssyncset.done $0x0  }
0x244: {  	[sflag:s10] =	ssyncadd.s32 $0xFFFFD800  }
0x245: {  	_ =	sfence.sel $0x180000  }
0x246: {  	[bflag:$0x0] =	sbarrier.arrive $0xFFFF  }
0x247: {  	_ =	strace $0x9000004A  }
0x248: {  	s0 =	stileid.u32;
	[bflag:$0x2] =	sbarrier.arrive $0xFFFF  }
0x249: {  	p0 =	sne.s32 s0, $0x0;
	s0 =	rddreg [dreg:$0x2]  }
0x24a: {  	s0 =	sadd.s32 @!p0 $0x100000, s0  }
0x24b: {  	[sflag:s0] =	ssyncadd.tile.s32 @!p0 $0x1;
	_ =	shalt  }
.Lfunc_end2:
_tile_overlayer_lowered:
.L_overlay_start_2:
0x24c: {  	(tag) =	ssettag $0x2  }
0x24d: {  	s0 =	rddreg [dreg:$0x0];
	s2 =	stileid.u32  }
0x24e: {  	s1 =	rddreg [dreg:$0x1];
	p0 =	sne.s32 s2, $0x0  }
0x24f: {  	s3 =	rddreg [dreg:$0x2];
	[bflag:$0x3] =	sbarrier.arrive $0xFFFF;
	s2 =	simm.s32 @!p0 $0x1C06  }
0x250: {  	[timem:s3], [sflag:s2] =	dma.local @!p0 [hbm:s0], s1  }
0x251: {  	s0 =	simm.s32 @!p0 $0x6  }
0x252: {  	_ =	swait.ge @!p0 [sflag:s0], s1  }
0x253: {  	s1 =	ssub.s32 @!p0 $0x0, s1;
	[sflag:s0] =	ssyncset.done @!p0 $0x0  }
0x254: {  	[sflag:s0] =	ssyncadd.s32 @!p0 s1  }
0x255: {  	[bflag:$0x3] =	sbarrier.arrive $0xFFFF  }
0x256: {  	_ =	shalt  }

</sc_bundles>
